<compile_context>
chip_gen: v7x
topology: tpu7x:2x2x1
jax: 0.10.2.dev20260603
libtpu: 0.0.44.dev20260713+nightly
codegen_flags: <defaults>
</compile_context>

<pallas_src>
import functools

import jax
import jax.numpy as jnp
from jax import lax
from jax.experimental import pallas as pl
from jax.experimental.pallas import tpu as pltpu
from jax.experimental.pallas import tpu_sc as plsc

EMBED = 64
BATCH = 4096
HIST = 200

_NC, _NS = 2, 16
_NW = _NC * _NS
_BPW = BATCH // _NW
_C0, _C1 = 104, 96


def _tanh(x):
    e = jnp.exp(2.0 * x)
    return 1.0 - 2.0 / (e + 1.0)


_NBUF = 4
_CHUNKS = ((0, 128), (128, 72))


def _sc_body(idx_hbm, tab_hbm, out_hbm, idx_v,
             b0, b1, b2, b3, out_v, s0, s1, s2, s3):
    bufs = (b0, b1, b2, b3)
    sems = (s0, s1, s2, s3)
    wid = lax.axis_index("s") * _NC + lax.axis_index("c")
    base = wid * _BPW
    pltpu.sync_copy(idx_hbm.at[pl.ds(base, _BPW)], idx_v)

    def fire(g, b):
        for off, sz in _CHUNKS:
            pltpu.async_copy(
                tab_hbm.at[idx_v.at[g, pl.ds(off, sz)]],
                bufs[b].at[pl.ds(off, sz)], sems[b])

    def drain(b):
        pltpu.make_async_copy(tab_hbm.at[pl.ds(0, HIST)], bufs[b], sems[b]).wait()

    ninf = jnp.full((16,), -jnp.inf, dtype=jnp.float32)

    def compute(g, buf):
        def acc(j, c):
            a0, a1, a2, a3, b0, b1, b2, b3 = c
            r0 = 2 * j
            r1 = 2 * j + 1
            return (
                jnp.maximum(a0, buf[r0, pl.ds(0, 16)]),
                jnp.maximum(a1, buf[r0, pl.ds(16, 16)]),
                jnp.maximum(a2, buf[r0, pl.ds(32, 16)]),
                jnp.maximum(a3, buf[r0, pl.ds(48, 16)]),
                jnp.maximum(b0, buf[r1, pl.ds(0, 16)]),
                jnp.maximum(b1, buf[r1, pl.ds(16, 16)]),
                jnp.maximum(b2, buf[r1, pl.ds(32, 16)]),
                jnp.maximum(b3, buf[r1, pl.ds(48, 16)]),
            )

        a0, a1, a2, a3, b0, b1, b2, b3 = lax.fori_loop(
            0, HIST // 2, acc, (ninf,) * 8, unroll=4)
        out_v[g, pl.ds(0, 16)] = _tanh(jnp.maximum(a0, b0))
        out_v[g, pl.ds(16, 16)] = _tanh(jnp.maximum(a1, b1))
        out_v[g, pl.ds(32, 16)] = _tanh(jnp.maximum(a2, b2))
        out_v[g, pl.ds(48, 16)] = _tanh(jnp.maximum(a3, b3))

    for b in range(_NBUF - 1):
        fire(b, b)

    def quad(t, carry):
        for b in range(_NBUF):
            g = _NBUF * t + b
            drain(b)
            compute(g, bufs[b])

            @pl.when(g + _NBUF - 1 < _BPW)
            def _():
                fire(g + _NBUF - 1, (b + _NBUF - 1) % _NBUF)

        return carry

    lax.fori_loop(0, _BPW // _NBUF, quad, 0)
    pltpu.sync_copy(out_v, out_hbm.at[pl.ds(base, _BPW)])


_sc_call = functools.partial(
    pl.kernel,
    mesh=plsc.VectorSubcoreMesh(core_axis_name="c", subcore_axis_name="s"),
    compiler_params=pltpu.CompilerParams(use_tc_tiling_on_sc=False),
    out_type=jax.ShapeDtypeStruct((BATCH, EMBED), jnp.float32),
    scratch_types=[
        pltpu.VMEM((_BPW, HIST), jnp.int32),
        pltpu.VMEM((HIST, EMBED), jnp.float32),
        pltpu.VMEM((HIST, EMBED), jnp.float32),
        pltpu.VMEM((HIST, EMBED), jnp.float32),
        pltpu.VMEM((HIST, EMBED), jnp.float32),
        pltpu.VMEM((_BPW, EMBED), jnp.float32),
        pltpu.SemaphoreType.DMA,
        pltpu.SemaphoreType.DMA,
        pltpu.SemaphoreType.DMA,
        pltpu.SemaphoreType.DMA,
    ],
)(_sc_body)


def kernel(input, embedding):
    return _sc_call(input.astype(jnp.int32), embedding)

# --- scband reference (transcript-rebuilt; emitter-appended) ---
"""Pipeline reference for scband-bowencoder-15753940041943 (READ-ONLY COPY).

The authoritative reference and input builder live on the scoring server;
editing this copy changes nothing except your own understanding.
"""

import jax, jax.numpy as jnp
import numpy as np

VOCAB = 1000000
EMBED = 64
BATCH = 4096
HIST = 200

def setup_inputs(seed: int = 0) -> dict:
    key = jax.random.key(seed)
    k1, k2 = jax.random.split(key)
    input_ids = jax.random.randint(k1, (BATCH, HIST), 0, VOCAB, dtype=jnp.int64) if jax.config.jax_enable_x64 else jax.random.randint(k1, (BATCH, HIST), 0, VOCAB, dtype=jnp.int32)
    embedding = jax.random.normal(k2, (VOCAB, EMBED), dtype=jnp.float32)
    return {"input": input_ids, "embedding": embedding}

def reference(input, embedding):
    # Faithful to BOWEncoder.forward in eval mode (dropout p=0.25 is identity when training=False)
    embedded = jnp.take(embedding, input, axis=0)          # gather: [B, L, E]
    pooled = jnp.max(embedded, axis=1)                     # pool='max' over dim=1 -> [B, E]
    return jnp.tanh(pooled)                                # activation='tanh'

if __name__ == "__main__":
    import jax
    _d = setup_inputs()
    print(jax.jit(kernel)(*tuple(_d.values())))

</pallas_src>

<mosaic_0001>
#map = affine_map<(d0, d1) -> (0, 0)>
module attributes {stable_mosaic.version = 14 : i64} {
  func.func @_sc_body(%arg0: i32, %arg1: i32, %arg2: memref<4096x200xi32, #tpu.memory_space<hbm>>, %arg3: memref<1000000x64xf32, #tpu.memory_space<hbm>>, %arg4: memref<4096x64xf32, #tpu.memory_space<hbm>>, %arg5: memref<128x200xi32, #tpu.memory_space<vmem>>, %arg6: memref<200x64xf32, #tpu.memory_space<vmem>>, %arg7: memref<200x64xf32, #tpu.memory_space<vmem>>, %arg8: memref<200x64xf32, #tpu.memory_space<vmem>>, %arg9: memref<200x64xf32, #tpu.memory_space<vmem>>, %arg10: memref<128x64xf32, #tpu.memory_space<vmem>>, %arg11: memref<!tpu.dma_semaphore, #tpu.memory_space<semaphore_mem>>, %arg12: memref<!tpu.dma_semaphore, #tpu.memory_space<semaphore_mem>>, %arg13: memref<!tpu.dma_semaphore, #tpu.memory_space<semaphore_mem>>, %arg14: memref<!tpu.dma_semaphore, #tpu.memory_space<semaphore_mem>>) attributes {dimension_semantics = [#tpu.dimension_semantics<core_parallel>, #tpu.dimension_semantics<subcore_parallel>], iteration_bounds = array<i64: 2, 16>, scalar_prefetch = 0 : i64, scratch_operands = 10 : i64, tpu.core_type = #tpu.core_type<sc_vector_subcore>, window_params = [{transform_indices = #map}, {transform_indices = #map}, {transform_indices = #map}]} {
    %mul3A = arith.constant 2 : i32
    %mul3A_0 = arith.muli %arg1, %mul3A : i32
    %add3A = arith.addi %mul3A_0, %arg0 : i32
    %mul3A_1 = arith.constant 128 : i32
    %mul3A_2 = arith.muli %add3A, %mul3A_1 : i32
    "tpu.region"() ({
      %run_scoped3A = tpu.sem_alloc : memref<!tpu.dma_semaphore, #tpu.memory_space<semaphore_mem>>
      %dma_start3A_68 = arith.constant 0 : i32
      %dma_start3A_69 = tpu.memref_slice %arg2[%mul3A_2, %dma_start3A_68] : memref<4096x200xi32, #tpu.memory_space<hbm>> -> memref<128x200xi32, #tpu.memory_space<hbm>>
      %dma_start3A_70 = arith.constant 0 : i32
      %dma_start3A_71 = tpu.memref_slice %arg2[%mul3A_2, %dma_start3A_70] : memref<4096x200xi32, #tpu.memory_space<hbm>> -> memref<128x200xi32, #tpu.memory_space<hbm>>
      tpu.enqueue_dma source(%dma_start3A_71 : memref<128x200xi32, #tpu.memory_space<hbm>>) target(%arg5 : memref<128x200xi32, #tpu.memory_space<vmem>>) target_semaphore(%run_scoped3A : memref<!tpu.dma_semaphore, #tpu.memory_space<semaphore_mem>>)
      %dma_wait3A = arith.constant 0 : i32
      %dma_wait3A_72 = tpu.memref_slice %arg2[%mul3A_2, %dma_wait3A] : memref<4096x200xi32, #tpu.memory_space<hbm>> -> memref<128x200xi32, #tpu.memory_space<hbm>>
      %dma_wait3A_73 = arith.constant 0 : i32
      %dma_wait3A_74 = tpu.memref_slice %arg2[%mul3A_2, %dma_wait3A_73] : memref<4096x200xi32, #tpu.memory_space<hbm>> -> memref<128x200xi32, #tpu.memory_space<hbm>>
      tpu.wait_dma2 semaphore(%run_scoped3A : memref<!tpu.dma_semaphore, #tpu.memory_space<semaphore_mem>>) src(%dma_wait3A_74 : memref<128x200xi32, #tpu.memory_space<hbm>>) dst(%arg5 : memref<128x200xi32, #tpu.memory_space<vmem>>)
      tpu.yield
    }) : () -> ()
    %broadcast_in_dim3A = arith.constant 0xFF800000 : f32
    %broadcast_in_dim3A_3 = vector.broadcast %broadcast_in_dim3A : f32 to vector<16xf32>
    %dma_start3A = arith.constant 0 : i32
    %dma_start3A_4 = arith.constant 0 : i32
    %dma_start3A_5 = arith.constant 0 : i32
    %dma_start3A_6 = tpu.memref_slice %arg6[%dma_start3A_4, %dma_start3A_5] : memref<200x64xf32, #tpu.memory_space<vmem>> -> memref<128x64xf32, #tpu.memory_space<vmem>>
    %dma_start3A_7 = arith.constant 0 : i32
    %dma_start3A_8 = tpu.memref_slice %arg5[%dma_start3A, %dma_start3A_7] : memref<128x200xi32, #tpu.memory_space<vmem>> -> memref<1x128xi32, #tpu.memory_space<vmem>>
    %dma_start3A_9 = tpu.memref_squeeze %dma_start3A_8 : memref<1x128xi32, #tpu.memory_space<vmem>> -> memref<128xi32, #tpu.memory_space<vmem>>
    %dma_start3A_10 = arith.constant 0 : i32
    %dma_start3A_11 = arith.constant 0 : i32
    %dma_start3A_12 = tpu.memref_slice %arg3[%dma_start3A_10, %dma_start3A_11] : memref<1000000x64xf32, #tpu.memory_space<hbm>> -> memref<1000000x64xf32, #tpu.memory_space<hbm>>
    tpu.enqueue_indirect_dma source(%dma_start3A_12 : memref<1000000x64xf32, #tpu.memory_space<hbm>>) target(%dma_start3A_6 : memref<128x64xf32, #tpu.memory_space<vmem>>) offsets(%dma_start3A_9 : memref<128xi32, #tpu.memory_space<vmem>>) semaphore(%arg11 : memref<!tpu.dma_semaphore, #tpu.memory_space<semaphore_mem>>)
    %dma_start3A_13 = arith.constant 0 : i32
    %dma_start3A_14 = arith.constant 128 : i32
    %dma_start3A_15 = arith.constant 0 : i32
    %dma_start3A_16 = tpu.memref_slice %arg6[%dma_start3A_14, %dma_start3A_15] : memref<200x64xf32, #tpu.memory_space<vmem>> -> memref<72x64xf32, #tpu.memory_space<vmem>>
    %dma_start3A_17 = arith.constant 128 : i32
    %dma_start3A_18 = tpu.memref_slice %arg5[%dma_start3A_13, %dma_start3A_17] : memref<128x200xi32, #tpu.memory_space<vmem>> -> memref<1x72xi32, #tpu.memory_space<vmem>>
    %dma_start3A_19 = tpu.memref_squeeze %dma_start3A_18 : memref<1x72xi32, #tpu.memory_space<vmem>> -> memref<72xi32, #tpu.memory_space<vmem>>
    %dma_start3A_20 = arith.constant 0 : i32
    %dma_start3A_21 = arith.constant 0 : i32
    %dma_start3A_22 = tpu.memref_slice %arg3[%dma_start3A_20, %dma_start3A_21] : memref<1000000x64xf32, #tpu.memory_space<hbm>> -> memref<1000000x64xf32, #tpu.memory_space<hbm>>
    tpu.enqueue_indirect_dma source(%dma_start3A_22 : memref<1000000x64xf32, #tpu.memory_space<hbm>>) target(%dma_start3A_16 : memref<72x64xf32, #tpu.memory_space<vmem>>) offsets(%dma_start3A_19 : memref<72xi32, #tpu.memory_space<vmem>>) semaphore(%arg11 : memref<!tpu.dma_semaphore, #tpu.memory_space<semaphore_mem>>)
    %dma_start3A_23 = arith.constant 1 : i32
    %dma_start3A_24 = arith.constant 0 : i32
    %dma_start3A_25 = arith.constant 0 : i32
    %dma_start3A_26 = tpu.memref_slice %arg7[%dma_start3A_24, %dma_start3A_25] : memref<200x64xf32, #tpu.memory_space<vmem>> -> memref<128x64xf32, #tpu.memory_space<vmem>>
    %dma_start3A_27 = arith.constant 0 : i32
    %dma_start3A_28 = tpu.memref_slice %arg5[%dma_start3A_23, %dma_start3A_27] : memref<128x200xi32, #tpu.memory_space<vmem>> -> memref<1x128xi32, #tpu.memory_space<vmem>>
    %dma_start3A_29 = tpu.memref_squeeze %dma_start3A_28 : memref<1x128xi32, #tpu.memory_space<vmem>> -> memref<128xi32, #tpu.memory_space<vmem>>
    %dma_start3A_30 = arith.constant 0 : i32
    %dma_start3A_31 = arith.constant 0 : i32
    %dma_start3A_32 = tpu.memref_slice %arg3[%dma_start3A_30, %dma_start3A_31] : memref<1000000x64xf32, #tpu.memory_space<hbm>> -> memref<1000000x64xf32, #tpu.memory_space<hbm>>
    tpu.enqueue_indirect_dma source(%dma_start3A_32 : memref<1000000x64xf32, #tpu.memory_space<hbm>>) target(%dma_start3A_26 : memref<128x64xf32, #tpu.memory_space<vmem>>) offsets(%dma_start3A_29 : memref<128xi32, #tpu.memory_space<vmem>>) semaphore(%arg12 : memref<!tpu.dma_semaphore, #tpu.memory_space<semaphore_mem>>)
    %dma_start3A_33 = arith.constant 1 : i32
    %dma_start3A_34 = arith.constant 128 : i32
    %dma_start3A_35 = arith.constant 0 : i32
    %dma_start3A_36 = tpu.memref_slice %arg7[%dma_start3A_34, %dma_start3A_35] : memref<200x64xf32, #tpu.memory_space<vmem>> -> memref<72x64xf32, #tpu.memory_space<vmem>>
    %dma_start3A_37 = arith.constant 128 : i32
    %dma_start3A_38 = tpu.memref_slice %arg5[%dma_start3A_33, %dma_start3A_37] : memref<128x200xi32, #tpu.memory_space<vmem>> -> memref<1x72xi32, #tpu.memory_space<vmem>>
    %dma_start3A_39 = tpu.memref_squeeze %dma_start3A_38 : memref<1x72xi32, #tpu.memory_space<vmem>> -> memref<72xi32, #tpu.memory_space<vmem>>
    %dma_start3A_40 = arith.constant 0 : i32
    %dma_start3A_41 = arith.constant 0 : i32
    %dma_start3A_42 = tpu.memref_slice %arg3[%dma_start3A_40, %dma_start3A_41] : memref<1000000x64xf32, #tpu.memory_space<hbm>> -> memref<1000000x64xf32, #tpu.memory_space<hbm>>
    tpu.enqueue_indirect_dma source(%dma_start3A_42 : memref<1000000x64xf32, #tpu.memory_space<hbm>>) target(%dma_start3A_36 : memref<72x64xf32, #tpu.memory_space<vmem>>) offsets(%dma_start3A_39 : memref<72xi32, #tpu.memory_space<vmem>>) semaphore(%arg12 : memref<!tpu.dma_semaphore, #tpu.memory_space<semaphore_mem>>)
    %dma_start3A_43 = arith.constant 2 : i32
    %dma_start3A_44 = arith.constant 0 : i32
    %dma_start3A_45 = arith.constant 0 : i32
    %dma_start3A_46 = tpu.memref_slice %arg8[%dma_start3A_44, %dma_start3A_45] : memref<200x64xf32, #tpu.memory_space<vmem>> -> memref<128x64xf32, #tpu.memory_space<vmem>>
    %dma_start3A_47 = arith.constant 0 : i32
    %dma_start3A_48 = tpu.memref_slice %arg5[%dma_start3A_43, %dma_start3A_47] : memref<128x200xi32, #tpu.memory_space<vmem>> -> memref<1x128xi32, #tpu.memory_space<vmem>>
    %dma_start3A_49 = tpu.memref_squeeze %dma_start3A_48 : memref<1x128xi32, #tpu.memory_space<vmem>> -> memref<128xi32, #tpu.memory_space<vmem>>
    %dma_start3A_50 = arith.constant 0 : i32
    %dma_start3A_51 = arith.constant 0 : i32
    %dma_start3A_52 = tpu.memref_slice %arg3[%dma_start3A_50, %dma_start3A_51] : memref<1000000x64xf32, #tpu.memory_space<hbm>> -> memref<1000000x64xf32, #tpu.memory_space<hbm>>
    tpu.enqueue_indirect_dma source(%dma_start3A_52 : memref<1000000x64xf32, #tpu.memory_space<hbm>>) target(%dma_start3A_46 : memref<128x64xf32, #tpu.memory_space<vmem>>) offsets(%dma_start3A_49 : memref<128xi32, #tpu.memory_space<vmem>>) semaphore(%arg13 : memref<!tpu.dma_semaphore, #tpu.memory_space<semaphore_mem>>)
    %dma_start3A_53 = arith.constant 2 : i32
    %dma_start3A_54 = arith.constant 128 : i32
    %dma_start3A_55 = arith.constant 0 : i32
    %dma_start3A_56 = tpu.memref_slice %arg8[%dma_start3A_54, %dma_start3A_55] : memref<200x64xf32, #tpu.memory_space<vmem>> -> memref<72x64xf32, #tpu.memory_space<vmem>>
    %dma_start3A_57 = arith.constant 128 : i32
    %dma_start3A_58 = tpu.memref_slice %arg5[%dma_start3A_53, %dma_start3A_57] : memref<128x200xi32, #tpu.memory_space<vmem>> -> memref<1x72xi32, #tpu.memory_space<vmem>>
    %dma_start3A_59 = tpu.memref_squeeze %dma_start3A_58 : memref<1x72xi32, #tpu.memory_space<vmem>> -> memref<72xi32, #tpu.memory_space<vmem>>
    %dma_start3A_60 = arith.constant 0 : i32
    %dma_start3A_61 = arith.constant 0 : i32
    %dma_start3A_62 = tpu.memref_slice %arg3[%dma_start3A_60, %dma_start3A_61] : memref<1000000x64xf32, #tpu.memory_space<hbm>> -> memref<1000000x64xf32, #tpu.memory_space<hbm>>
    tpu.enqueue_indirect_dma source(%dma_start3A_62 : memref<1000000x64xf32, #tpu.memory_space<hbm>>) target(%dma_start3A_56 : memref<72x64xf32, #tpu.memory_space<vmem>>) offsets(%dma_start3A_59 : memref<72xi32, #tpu.memory_space<vmem>>) semaphore(%arg13 : memref<!tpu.dma_semaphore, #tpu.memory_space<semaphore_mem>>)
    %scan3A = arith.constant 0 : i32
    %scan3A_63 = arith.constant 0 : i32
    %scan3A_64 = arith.constant 32 : i32
    %scan3A_65 = arith.addi %scan3A_63, %scan3A_64 : i32
    %scan3A_66 = arith.constant 1 : i32
    scf.for %scan3A_68 = %scan3A_63 to %scan3A_65 step %scan3A_66  : i32 {
      %mul3A_69 = arith.constant 4 : i32
      %mul3A_70 = arith.muli %mul3A_69, %scan3A_68 : i32
      %add3A_71 = arith.constant 0 : i32
      %add3A_72 = arith.addi %mul3A_70, %add3A_71 : i32
      %dma_wait3A = arith.constant 0 : i32
      %dma_wait3A_73 = arith.constant 0 : i32
      %dma_wait3A_74 = tpu.memref_slice %arg3[%dma_wait3A, %dma_wait3A_73] : memref<1000000x64xf32, #tpu.memory_space<hbm>> -> memref<200x64xf32, #tpu.memory_space<hbm>>
      %dma_wait3A_75 = arith.constant 0 : i32
      %dma_wait3A_76 = arith.constant 0 : i32
      %dma_wait3A_77 = tpu.memref_slice %arg3[%dma_wait3A_75, %dma_wait3A_76] : memref<1000000x64xf32, #tpu.memory_space<hbm>> -> memref<200x64xf32, #tpu.memory_space<hbm>>
      tpu.wait_dma2 semaphore(%arg11 : memref<!tpu.dma_semaphore, #tpu.memory_space<semaphore_mem>>) src(%dma_wait3A_77 : memref<200x64xf32, #tpu.memory_space<hbm>>) dst(%arg6 : memref<200x64xf32, #tpu.memory_space<vmem>>)
      %scan3A_78 = arith.constant 0 : i32
      %scan3A_79 = arith.constant 100 : i32
      %scan3A_80 = arith.addi %scan3A_78, %scan3A_79 : i32
      %scan3A_81 = arith.constant 4 : i32
      %scan3A_82:8 = scf.for %scan3A_464 = %scan3A_78 to %scan3A_80 step %scan3A_81 iter_args(%scan3A_465 = %broadcast_in_dim3A_3, %scan3A_466 = %broadcast_in_dim3A_3, %scan3A_467 = %broadcast_in_dim3A_3, %scan3A_468 = %broadcast_in_dim3A_3, %scan3A_469 = %broadcast_in_dim3A_3, %scan3A_470 = %broadcast_in_dim3A_3, %scan3A_471 = %broadcast_in_dim3A_3, %scan3A_472 = %broadcast_in_dim3A_3) -> (vector<16xf32>, vector<16xf32>, vector<16xf32>, vector<16xf32>, vector<16xf32>, vector<16xf32>, vector<16xf32>, vector<16xf32>)  : i32 {
        %mul3A_473 = arith.constant 2 : i32
        %mul3A_474 = arith.muli %mul3A_473, %scan3A_464 : i32
        %mul3A_475 = arith.constant 2 : i32
        %mul3A_476 = arith.muli %mul3A_475, %scan3A_464 : i32
        %add3A_477 = arith.constant 1 : i32
        %add3A_478 = arith.addi %mul3A_476, %add3A_477 : i32
        %get3A = arith.index_cast %mul3A_474 : i32 to index
        %get3A_479 = arith.constant 0 : index
        %get3A_480 = tpu.vector_load %arg6[%get3A, %get3A_479] {strides = array<i32>} : memref<200x64xf32, #tpu.memory_space<vmem>>, vector<1x16xf32>,
        %get3A_481 = vector.shape_cast %get3A_480 : vector<1x16xf32> to vector<16xf32>
        %max3A_482 = arith.maximumf %scan3A_465, %get3A_481 : vector<16xf32>
        %get3A_483 = arith.index_cast %mul3A_474 : i32 to index
        %get3A_484 = arith.constant 16 : index
        %get3A_485 = tpu.vector_load %arg6[%get3A_483, %get3A_484] {strides = array<i32>} : memref<200x64xf32, #tpu.memory_space<vmem>>, vector<1x16xf32>,
        %get3A_486 = vector.shape_cast %get3A_485 : vector<1x16xf32> to vector<16xf32>
        %max3A_487 = arith.maximumf %scan3A_466, %get3A_486 : vector<16xf32>
        %get3A_488 = arith.index_cast %mul3A_474 : i32 to index
        %get3A_489 = arith.constant 32 : index
        %get3A_490 = tpu.vector_load %arg6[%get3A_488, %get3A_489] {strides = array<i32>} : memref<200x64xf32, #tpu.memory_space<vmem>>, vector<1x16xf32>,
        %get3A_491 = vector.shape_cast %get3A_490 : vector<1x16xf32> to vector<16xf32>
        %max3A_492 = arith.maximumf %scan3A_467, %get3A_491 : vector<16xf32>
        %get3A_493 = arith.index_cast %mul3A_474 : i32 to index
        %get3A_494 = arith.constant 48 : index
        %get3A_495 = tpu.vector_load %arg6[%get3A_493, %get3A_494] {strides = array<i32>} : memref<200x64xf32, #tpu.memory_space<vmem>>, vector<1x16xf32>,
        %get3A_496 = vector.shape_cast %get3A_495 : vector<1x16xf32> to vector<16xf32>
        %max3A_497 = arith.maximumf %scan3A_468, %get3A_496 : vector<16xf32>
        %get3A_498 = arith.index_cast %add3A_478 : i32 to index
        %get3A_499 = arith.constant 0 : index
        %get3A_500 = tpu.vector_load %arg6[%get3A_498, %get3A_499] {strides = array<i32>} : memref<200x64xf32, #tpu.memory_space<vmem>>, vector<1x16xf32>,
        %get3A_501 = vector.shape_cast %get3A_500 : vector<1x16xf32> to vector<16xf32>
        %max3A_502 = arith.maximumf %scan3A_469, %get3A_501 : vector<16xf32>
        %get3A_503 = arith.index_cast %add3A_478 : i32 to index
        %get3A_504 = arith.constant 16 : index
        %get3A_505 = tpu.vector_load %arg6[%get3A_503, %get3A_504] {strides = array<i32>} : memref<200x64xf32, #tpu.memory_space<vmem>>, vector<1x16xf32>,
        %get3A_506 = vector.shape_cast %get3A_505 : vector<1x16xf32> to vector<16xf32>
        %max3A_507 = arith.maximumf %scan3A_470, %get3A_506 : vector<16xf32>
        %get3A_508 = arith.index_cast %add3A_478 : i32 to index
        %get3A_509 = arith.constant 32 : index
        %get3A_510 = tpu.vector_load %arg6[%get3A_508, %get3A_509] {strides = array<i32>} : memref<200x64xf32, #tpu.memory_space<vmem>>, vector<1x16xf32>,
        %get3A_511 = vector.shape_cast %get3A_510 : vector<1x16xf32> to vector<16xf32>
        %max3A_512 = arith.maximumf %scan3A_471, %get3A_511 : vector<16xf32>
        %get3A_513 = arith.index_cast %add3A_478 : i32 to index
        %get3A_514 = arith.constant 48 : index
        %get3A_515 = tpu.vector_load %arg6[%get3A_513, %get3A_514] {strides = array<i32>} : memref<200x64xf32, #tpu.memory_space<vmem>>, vector<1x16xf32>,
        %get3A_516 = vector.shape_cast %get3A_515 : vector<1x16xf32> to vector<16xf32>
        %max3A_517 = arith.maximumf %scan3A_472, %get3A_516 : vector<16xf32>
        %scan3A_518 = arith.constant 1 : i32
        %scan3A_519 = arith.addi %scan3A_464, %scan3A_518 : i32
        %mul3A_520 = arith.constant 2 : i32
        %mul3A_521 = arith.muli %mul3A_520, %scan3A_519 : i32
        %mul3A_522 = arith.constant 2 : i32
        %mul3A_523 = arith.muli %mul3A_522, %scan3A_519 : i32
        %add3A_524 = arith.constant 1 : i32
        %add3A_525 = arith.addi %mul3A_523, %add3A_524 : i32
        %get3A_526 = arith.index_cast %mul3A_521 : i32 to index
        %get3A_527 = arith.constant 0 : index
        %get3A_528 = tpu.vector_load %arg6[%get3A_526, %get3A_527] {strides = array<i32>} : memref<200x64xf32, #tpu.memory_space<vmem>>, vector<1x16xf32>,
        %get3A_529 = vector.shape_cast %get3A_528 : vector<1x16xf32> to vector<16xf32>
        %max3A_530 = arith.maximumf %max3A_482, %get3A_529 : vector<16xf32>
        %get3A_531 = arith.index_cast %mul3A_521 : i32 to index
        %get3A_532 = arith.constant 16 : index
        %get3A_533 = tpu.vector_load %arg6[%get3A_531, %get3A_532] {strides = array<i32>} : memref<200x64xf32, #tpu.memory_space<vmem>>, vector<1x16xf32>,
        %get3A_534 = vector.shape_cast %get3A_533 : vector<1x16xf32> to vector<16xf32>
        %max3A_535 = arith.maximumf %max3A_487, %get3A_534 : vector<16xf32>
        %get3A_536 = arith.index_cast %mul3A_521 : i32 to index
        %get3A_537 = arith.constant 32 : index
        %get3A_538 = tpu.vector_load %arg6[%get3A_536, %get3A_537] {strides = array<i32>} : memref<200x64xf32, #tpu.memory_space<vmem>>, vector<1x16xf32>,
        %get3A_539 = vector.shape_cast %get3A_538 : vector<1x16xf32> to vector<16xf32>
        %max3A_540 = arith.maximumf %max3A_492, %get3A_539 : vector<16xf32>
        %get3A_541 = arith.index_cast %mul3A_521 : i32 to index
        %get3A_542 = arith.constant 48 : index
        %get3A_543 = tpu.vector_load %arg6[%get3A_541, %get3A_542] {strides = array<i32>} : memref<200x64xf32, #tpu.memory_space<vmem>>, vector<1x16xf32>,
        %get3A_544 = vector.shape_cast %get3A_543 : vector<1x16xf32> to vector<16xf32>
        %max3A_545 = arith.maximumf %max3A_497, %get3A_544 : vector<16xf32>
        %get3A_546 = arith.index_cast %add3A_525 : i32 to index
        %get3A_547 = arith.constant 0 : index
        %get3A_548 = tpu.vector_load %arg6[%get3A_546, %get3A_547] {strides = array<i32>} : memref<200x64xf32, #tpu.memory_space<vmem>>, vector<1x16xf32>,
        %get3A_549 = vector.shape_cast %get3A_548 : vector<1x16xf32> to vector<16xf32>
        %max3A_550 = arith.maximumf %max3A_502, %get3A_549 : vector<16xf32>
        %get3A_551 = arith.index_cast %add3A_525 : i32 to index
        %get3A_552 = arith.constant 16 : index
        %get3A_553 = tpu.vector_load %arg6[%get3A_551, %get3A_552] {strides = array<i32>} : memref<200x64xf32, #tpu.memory_space<vmem>>, vector<1x16xf32>,
        %get3A_554 = vector.shape_cast %get3A_553 : vector<1x16xf32> to vector<16xf32>
        %max3A_555 = arith.maximumf %max3A_507, %get3A_554 : vector<16xf32>
        %get3A_556 = arith.index_cast %add3A_525 : i32 to index
        %get3A_557 = arith.constant 32 : index
        %get3A_558 = tpu.vector_load %arg6[%get3A_556, %get3A_557] {strides = array<i32>} : memref<200x64xf32, #tpu.memory_space<vmem>>, vector<1x16xf32>,
        %get3A_559 = vector.shape_cast %get3A_558 : vector<1x16xf32> to vector<16xf32>
        %max3A_560 = arith.maximumf %max3A_512, %get3A_559 : vector<16xf32>
        %get3A_561 = arith.index_cast %add3A_525 : i32 to index
        %get3A_562 = arith.constant 48 : index
        %get3A_563 = tpu.vector_load %arg6[%get3A_561, %get3A_562] {strides = array<i32>} : memref<200x64xf32, #tpu.memory_space<vmem>>, vector<1x16xf32>,
        %get3A_564 = vector.shape_cast %get3A_563 : vector<1x16xf32> to vector<16xf32>
        %max3A_565 = arith.maximumf %max3A_517, %get3A_564 : vector<16xf32>
        %scan3A_566 = arith.constant 2 : i32
        %scan3A_567 = arith.addi %scan3A_464, %scan3A_566 : i32
        %mul3A_568 = arith.constant 2 : i32
        %mul3A_569 = arith.muli %mul3A_568, %scan3A_567 : i32
        %mul3A_570 = arith.constant 2 : i32
        %mul3A_571 = arith.muli %mul3A_570, %scan3A_567 : i32
        %add3A_572 = arith.constant 1 : i32
        %add3A_573 = arith.addi %mul3A_571, %add3A_572 : i32
        %get3A_574 = arith.index_cast %mul3A_569 : i32 to index
        %get3A_575 = arith.constant 0 : index
        %get3A_576 = tpu.vector_load %arg6[%get3A_574, %get3A_575] {strides = array<i32>} : memref<200x64xf32, #tpu.memory_space<vmem>>, vector<1x16xf32>,
        %get3A_577 = vector.shape_cast %get3A_576 : vector<1x16xf32> to vector<16xf32>
        %max3A_578 = arith.maximumf %max3A_530, %get3A_577 : vector<16xf32>
        %get3A_579 = arith.index_cast %mul3A_569 : i32 to index
        %get3A_580 = arith.constant 16 : index
        %get3A_581 = tpu.vector_load %arg6[%get3A_579, %get3A_580] {strides = array<i32>} : memref<200x64xf32, #tpu.memory_space<vmem>>, vector<1x16xf32>,
        %get3A_582 = vector.shape_cast %get3A_581 : vector<1x16xf32> to vector<16xf32>
        %max3A_583 = arith.maximumf %max3A_535, %get3A_582 : vector<16xf32>
        %get3A_584 = arith.index_cast %mul3A_569 : i32 to index
        %get3A_585 = arith.constant 32 : index
        %get3A_586 = tpu.vector_load %arg6[%get3A_584, %get3A_585] {strides = array<i32>} : memref<200x64xf32, #tpu.memory_space<vmem>>, vector<1x16xf32>,
        %get3A_587 = vector.shape_cast %get3A_586 : vector<1x16xf32> to vector<16xf32>
        %max3A_588 = arith.maximumf %max3A_540, %get3A_587 : vector<16xf32>
        %get3A_589 = arith.index_cast %mul3A_569 : i32 to index
        %get3A_590 = arith.constant 48 : index
        %get3A_591 = tpu.vector_load %arg6[%get3A_589, %get3A_590] {strides = array<i32>} : memref<200x64xf32, #tpu.memory_space<vmem>>, vector<1x16xf32>,
        %get3A_592 = vector.shape_cast %get3A_591 : vector<1x16xf32> to vector<16xf32>
        %max3A_593 = arith.maximumf %max3A_545, %get3A_592 : vector<16xf32>
        %get3A_594 = arith.index_cast %add3A_573 : i32 to index
        %get3A_595 = arith.constant 0 : index
        %get3A_596 = tpu.vector_load %arg6[%get3A_594, %get3A_595] {strides = array<i32>} : memref<200x64xf32, #tpu.memory_space<vmem>>, vector<1x16xf32>,
        %get3A_597 = vector.shape_cast %get3A_596 : vector<1x16xf32> to vector<16xf32>
        %max3A_598 = arith.maximumf %max3A_550, %get3A_597 : vector<16xf32>
        %get3A_599 = arith.index_cast %add3A_573 : i32 to index
        %get3A_600 = arith.constant 16 : index
        %get3A_601 = tpu.vector_load %arg6[%get3A_599, %get3A_600] {strides = array<i32>} : memref<200x64xf32, #tpu.memory_space<vmem>>, vector<1x16xf32>,
        %get3A_602 = vector.shape_cast %get3A_601 : vector<1x16xf32> to vector<16xf32>
        %max3A_603 = arith.maximumf %max3A_555, %get3A_602 : vector<16xf32>
        %get3A_604 = arith.index_cast %add3A_573 : i32 to index
        %get3A_605 = arith.constant 32 : index
        %get3A_606 = tpu.vector_load %arg6[%get3A_604, %get3A_605] {strides = array<i32>} : memref<200x64xf32, #tpu.memory_space<vmem>>, vector<1x16xf32>,
        %get3A_607 = vector.shape_cast %get3A_606 : vector<1x16xf32> to vector<16xf32>
        %max3A_608 = arith.maximumf %max3A_560, %get3A_607 : vector<16xf32>
        %get3A_609 = arith.index_cast %add3A_573 : i32 to index
        %get3A_610 = arith.constant 48 : index
        %get3A_611 = tpu.vector_load %arg6[%get3A_609, %get3A_610] {strides = array<i32>} : memref<200x64xf32, #tpu.memory_space<vmem>>, vector<1x16xf32>,
        %get3A_612 = vector.shape_cast %get3A_611 : vector<1x16xf32> to vector<16xf32>
        %max3A_613 = arith.maximumf %max3A_565, %get3A_612 : vector<16xf32>
        %scan3A_614 = arith.constant 3 : i32
        %scan3A_615 = arith.addi %scan3A_464, %scan3A_614 : i32
        %mul3A_616 = arith.constant 2 : i32
        %mul3A_617 = arith.muli %mul3A_616, %scan3A_615 : i32
        %mul3A_618 = arith.constant 2 : i32
        %mul3A_619 = arith.muli %mul3A_618, %scan3A_615 : i32
        %add3A_620 = arith.constant 1 : i32
        %add3A_621 = arith.addi %mul3A_619, %add3A_620 : i32
        %get3A_622 = arith.index_cast %mul3A_617 : i32 to index
        %get3A_623 = arith.constant 0 : index
        %get3A_624 = tpu.vector_load %arg6[%get3A_622, %get3A_623] {strides = array<i32>} : memref<200x64xf32, #tpu.memory_space<vmem>>, vector<1x16xf32>,
        %get3A_625 = vector.shape_cast %get3A_624 : vector<1x16xf32> to vector<16xf32>
        %max3A_626 = arith.maximumf %max3A_578, %get3A_625 : vector<16xf32>
        %get3A_627 = arith.index_cast %mul3A_617 : i32 to index
        %get3A_628 = arith.constant 16 : index
        %get3A_629 = tpu.vector_load %arg6[%get3A_627, %get3A_628] {strides = array<i32>} : memref<200x64xf32, #tpu.memory_space<vmem>>, vector<1x16xf32>,
        %get3A_630 = vector.shape_cast %get3A_629 : vector<1x16xf32> to vector<16xf32>
        %max3A_631 = arith.maximumf %max3A_583, %get3A_630 : vector<16xf32>
        %get3A_632 = arith.index_cast %mul3A_617 : i32 to index
        %get3A_633 = arith.constant 32 : index
        %get3A_634 = tpu.vector_load %arg6[%get3A_632, %get3A_633] {strides = array<i32>} : memref<200x64xf32, #tpu.memory_space<vmem>>, vector<1x16xf32>,
        %get3A_635 = vector.shape_cast %get3A_634 : vector<1x16xf32> to vector<16xf32>
        %max3A_636 = arith.maximumf %max3A_588, %get3A_635 : vector<16xf32>
        %get3A_637 = arith.index_cast %mul3A_617 : i32 to index
        %get3A_638 = arith.constant 48 : index
        %get3A_639 = tpu.vector_load %arg6[%get3A_637, %get3A_638] {strides = array<i32>} : memref<200x64xf32, #tpu.memory_space<vmem>>, vector<1x16xf32>,
        %get3A_640 = vector.shape_cast %get3A_639 : vector<1x16xf32> to vector<16xf32>
        %max3A_641 = arith.maximumf %max3A_593, %get3A_640 : vector<16xf32>
        %get3A_642 = arith.index_cast %add3A_621 : i32 to index
        %get3A_643 = arith.constant 0 : index
        %get3A_644 = tpu.vector_load %arg6[%get3A_642, %get3A_643] {strides = array<i32>} : memref<200x64xf32, #tpu.memory_space<vmem>>, vector<1x16xf32>,
        %get3A_645 = vector.shape_cast %get3A_644 : vector<1x16xf32> to vector<16xf32>
        %max3A_646 = arith.maximumf %max3A_598, %get3A_645 : vector<16xf32>
        %get3A_647 = arith.index_cast %add3A_621 : i32 to index
        %get3A_648 = arith.constant 16 : index
        %get3A_649 = tpu.vector_load %arg6[%get3A_647, %get3A_648] {strides = array<i32>} : memref<200x64xf32, #tpu.memory_space<vmem>>, vector<1x16xf32>,
        %get3A_650 = vector.shape_cast %get3A_649 : vector<1x16xf32> to vector<16xf32>
        %max3A_651 = arith.maximumf %max3A_603, %get3A_650 : vector<16xf32>
        %get3A_652 = arith.index_cast %add3A_621 : i32 to index
        %get3A_653 = arith.constant 32 : index
        %get3A_654 = tpu.vector_load %arg6[%get3A_652, %get3A_653] {strides = array<i32>} : memref<200x64xf32, #tpu.memory_space<vmem>>, vector<1x16xf32>,
        %get3A_655 = vector.shape_cast %get3A_654 : vector<1x16xf32> to vector<16xf32>
        %max3A_656 = arith.maximumf %max3A_608, %get3A_655 : vector<16xf32>
        %get3A_657 = arith.index_cast %add3A_621 : i32 to index
        %get3A_658 = arith.constant 48 : index
        %get3A_659 = tpu.vector_load %arg6[%get3A_657, %get3A_658] {strides = array<i32>} : memref<200x64xf32, #tpu.memory_space<vmem>>, vector<1x16xf32>,
        %get3A_660 = vector.shape_cast %get3A_659 : vector<1x16xf32> to vector<16xf32>
        %max3A_661 = arith.maximumf %max3A_613, %get3A_660 : vector<16xf32>
        scf.yield %max3A_626, %max3A_631, %max3A_636, %max3A_641, %max3A_646, %max3A_651, %max3A_656, %max3A_661 : vector<16xf32>, vector<16xf32>, vector<16xf32>, vector<16xf32>, vector<16xf32>, vector<16xf32>, vector<16xf32>, vector<16xf32>
      }
      %scan3A_83 = arith.constant 100 : i32
      %max3A = arith.maximumf %scan3A_82#0, %scan3A_82#4 : vector<16xf32>
      %mul3A_84 = arith.constant 2.000000e+00 : f32
      %mul3A_85 = vector.broadcast %mul3A_84 : f32 to vector<16xf32>
      %mul3A_86 = arith.mulf %mul3A_85, %max3A : vector<16xf32>
      %exp3A = math.exp %mul3A_86 : vector<16xf32>
      %add3A_87 = arith.constant 1.000000e+00 : f32
      %add3A_88 = vector.broadcast %add3A_87 : f32 to vector<16xf32>
      %add3A_89 = arith.addf %exp3A, %add3A_88 : vector<16xf32>
      %div3A = arith.constant 2.000000e+00 : f32
      %div3A_90 = vector.broadcast %div3A : f32 to vector<16xf32>
      %div3A_91 = arith.divf %div3A_90, %add3A_89 : vector<16xf32>
      %sub3A = arith.constant 1.000000e+00 : f32
      %sub3A_92 = vector.broadcast %sub3A : f32 to vector<16xf32>
      %sub3A_93 = arith.subf %sub3A_92, %div3A_91 : vector<16xf32>
      %swap3A = arith.index_cast %add3A_72 : i32 to index
      %swap3A_94 = arith.constant 0 : index
      %swap3A_95 = tpu.vector_load %arg10[%swap3A, %swap3A_94] {strides = array<i32>} : memref<128x64xf32, #tpu.memory_space<vmem>>, vector<1x16xf32>,
      %swap3A_96 = vector.shape_cast %swap3A_95 : vector<1x16xf32> to vector<16xf32>
      %swap3A_97 = vector.shape_cast %sub3A_93 : vector<16xf32> to vector<1x16xf32>
      tpu.vector_store %arg10[%swap3A, %swap3A_94], %swap3A_97 {strides = array<i32>} : memref<128x64xf32, #tpu.memory_space<vmem>>, vector<1x16xf32>,
      %max3A_98 = arith.maximumf %scan3A_82#1, %scan3A_82#5 : vector<16xf32>
      %mul3A_99 = arith.constant 2.000000e+00 : f32
      %mul3A_100 = vector.broadcast %mul3A_99 : f32 to vector<16xf32>
      %mul3A_101 = arith.mulf %mul3A_100, %max3A_98 : vector<16xf32>
      %exp3A_102 = math.exp %mul3A_101 : vector<16xf32>
      %add3A_103 = arith.constant 1.000000e+00 : f32
      %add3A_104 = vector.broadcast %add3A_103 : f32 to vector<16xf32>
      %add3A_105 = arith.addf %exp3A_102, %add3A_104 : vector<16xf32>
      %div3A_106 = arith.constant 2.000000e+00 : f32
      %div3A_107 = vector.broadcast %div3A_106 : f32 to vector<16xf32>
      %div3A_108 = arith.divf %div3A_107, %add3A_105 : vector<16xf32>
      %sub3A_109 = arith.constant 1.000000e+00 : f32
      %sub3A_110 = vector.broadcast %sub3A_109 : f32 to vector<16xf32>
      %sub3A_111 = arith.subf %sub3A_110, %div3A_108 : vector<16xf32>
      %swap3A_112 = arith.index_cast %add3A_72 : i32 to index
      %swap3A_113 = arith.constant 16 : index
      %swap3A_114 = tpu.vector_load %arg10[%swap3A_112, %swap3A_113] {strides = array<i32>} : memref<128x64xf32, #tpu.memory_space<vmem>>, vector<1x16xf32>,
      %swap3A_115 = vector.shape_cast %swap3A_114 : vector<1x16xf32> to vector<16xf32>
      %swap3A_116 = vector.shape_cast %sub3A_111 : vector<16xf32> to vector<1x16xf32>
      tpu.vector_store %arg10[%swap3A_112, %swap3A_113], %swap3A_116 {strides = array<i32>} : memref<128x64xf32, #tpu.memory_space<vmem>>, vector<1x16xf32>,
      %max3A_117 = arith.maximumf %scan3A_82#2, %scan3A_82#6 : vector<16xf32>
      %mul3A_118 = arith.constant 2.000000e+00 : f32
      %mul3A_119 = vector.broadcast %mul3A_118 : f32 to vector<16xf32>
      %mul3A_120 = arith.mulf %mul3A_119, %max3A_117 : vector<16xf32>
      %exp3A_121 = math.exp %mul3A_120 : vector<16xf32>
      %add3A_122 = arith.constant 1.000000e+00 : f32
      %add3A_123 = vector.broadcast %add3A_122 : f32 to vector<16xf32>
      %add3A_124 = arith.addf %exp3A_121, %add3A_123 : vector<16xf32>
      %div3A_125 = arith.constant 2.000000e+00 : f32
      %div3A_126 = vector.broadcast %div3A_125 : f32 to vector<16xf32>
      %div3A_127 = arith.divf %div3A_126, %add3A_124 : vector<16xf32>
      %sub3A_128 = arith.constant 1.000000e+00 : f32
      %sub3A_129 = vector.broadcast %sub3A_128 : f32 to vector<16xf32>
      %sub3A_130 = arith.subf %sub3A_129, %div3A_127 : vector<16xf32>
      %swap3A_131 = arith.index_cast %add3A_72 : i32 to index
      %swap3A_132 = arith.constant 32 : index
      %swap3A_133 = tpu.vector_load %arg10[%swap3A_131, %swap3A_132] {strides = array<i32>} : memref<128x64xf32, #tpu.memory_space<vmem>>, vector<1x16xf32>,
      %swap3A_134 = vector.shape_cast %swap3A_133 : vector<1x16xf32> to vector<16xf32>
      %swap3A_135 = vector.shape_cast %sub3A_130 : vector<16xf32> to vector<1x16xf32>
      tpu.vector_store %arg10[%swap3A_131, %swap3A_132], %swap3A_135 {strides = array<i32>} : memref<128x64xf32, #tpu.memory_space<vmem>>, vector<1x16xf32>,
      %max3A_136 = arith.maximumf %scan3A_82#3, %scan3A_82#7 : vector<16xf32>
      %mul3A_137 = arith.constant 2.000000e+00 : f32
      %mul3A_138 = vector.broadcast %mul3A_137 : f32 to vector<16xf32>
      %mul3A_139 = arith.mulf %mul3A_138, %max3A_136 : vector<16xf32>
      %exp3A_140 = math.exp %mul3A_139 : vector<16xf32>
      %add3A_141 = arith.constant 1.000000e+00 : f32
      %add3A_142 = vector.broadcast %add3A_141 : f32 to vector<16xf32>
      %add3A_143 = arith.addf %exp3A_140, %add3A_142 : vector<16xf32>
      %div3A_144 = arith.constant 2.000000e+00 : f32
      %div3A_145 = vector.broadcast %div3A_144 : f32 to vector<16xf32>
      %div3A_146 = arith.divf %div3A_145, %add3A_143 : vector<16xf32>
      %sub3A_147 = arith.constant 1.000000e+00 : f32
      %sub3A_148 = vector.broadcast %sub3A_147 : f32 to vector<16xf32>
      %sub3A_149 = arith.subf %sub3A_148, %div3A_146 : vector<16xf32>
      %swap3A_150 = arith.index_cast %add3A_72 : i32 to index
      %swap3A_151 = arith.constant 48 : index
      %swap3A_152 = tpu.vector_load %arg10[%swap3A_150, %swap3A_151] {strides = array<i32>} : memref<128x64xf32, #tpu.memory_space<vmem>>, vector<1x16xf32>,
      %swap3A_153 = vector.shape_cast %swap3A_152 : vector<1x16xf32> to vector<16xf32>
      %swap3A_154 = vector.shape_cast %sub3A_149 : vector<16xf32> to vector<1x16xf32>
      tpu.vector_store %arg10[%swap3A_150, %swap3A_151], %swap3A_154 {strides = array<i32>} : memref<128x64xf32, #tpu.memory_space<vmem>>, vector<1x16xf32>,
      %add3A_155 = arith.constant 4 : i32
      %add3A_156 = arith.addi %add3A_72, %add3A_155 : i32
      %sub3A_157 = arith.constant 1 : i32
      %sub3A_158 = arith.subi %add3A_156, %sub3A_157 : i32
      %lt3A = arith.constant 128 : i32
      %lt3A_159 = arith.cmpi slt, %sub3A_158, %lt3A : i32
      %convert_element_type3A = arith.extui %lt3A_159 : i1 to i32
      %cond3A = arith.constant 0 : i32
      %cond3A_160 = arith.cmpi ne, %convert_element_type3A, %cond3A : i32
      scf.if %cond3A_160 {
        %add3A_464 = arith.constant 4 : i32
        %add3A_465 = arith.addi %add3A_72, %add3A_464 : i32
        %sub3A_466 = arith.constant 1 : i32
        %sub3A_467 = arith.subi %add3A_465, %sub3A_466 : i32
        %dma_start3A_468 = arith.constant 0 : i32
        %dma_start3A_469 = arith.constant 0 : i32
        %dma_start3A_470 = tpu.memref_slice %arg9[%dma_start3A_468, %dma_start3A_469] : memref<200x64xf32, #tpu.memory_space<vmem>> -> memref<128x64xf32, #tpu.memory_space<vmem>>
        %dma_start3A_471 = arith.constant 0 : i32
        %dma_start3A_472 = tpu.memref_slice %arg5[%sub3A_467, %dma_start3A_471] : memref<128x200xi32, #tpu.memory_space<vmem>> -> memref<1x128xi32, #tpu.memory_space<vmem>>
        %dma_start3A_473 = tpu.memref_squeeze %dma_start3A_472 : memref<1x128xi32, #tpu.memory_space<vmem>> -> memref<128xi32, #tpu.memory_space<vmem>>
        %dma_start3A_474 = arith.constant 0 : i32
        %dma_start3A_475 = arith.constant 0 : i32
        %dma_start3A_476 = tpu.memref_slice %arg3[%dma_start3A_474, %dma_start3A_475] : memref<1000000x64xf32, #tpu.memory_space<hbm>> -> memref<1000000x64xf32, #tpu.memory_space<hbm>>
        tpu.enqueue_indirect_dma source(%dma_start3A_476 : memref<1000000x64xf32, #tpu.memory_space<hbm>>) target(%dma_start3A_470 : memref<128x64xf32, #tpu.memory_space<vmem>>) offsets(%dma_start3A_473 : memref<128xi32, #tpu.memory_space<vmem>>) semaphore(%arg14 : memref<!tpu.dma_semaphore, #tpu.memory_space<semaphore_mem>>)
        %dma_start3A_477 = arith.constant 128 : i32
        %dma_start3A_478 = arith.constant 0 : i32
        %dma_start3A_479 = tpu.memref_slice %arg9[%dma_start3A_477, %dma_start3A_478] : memref<200x64xf32, #tpu.memory_space<vmem>> -> memref<72x64xf32, #tpu.memory_space<vmem>>
        %dma_start3A_480 = arith.constant 128 : i32
        %dma_start3A_481 = tpu.memref_slice %arg5[%sub3A_467, %dma_start3A_480] : memref<128x200xi32, #tpu.memory_space<vmem>> -> memref<1x72xi32, #tpu.memory_space<vmem>>
        %dma_start3A_482 = tpu.memref_squeeze %dma_start3A_481 : memref<1x72xi32, #tpu.memory_space<vmem>> -> memref<72xi32, #tpu.memory_space<vmem>>
        %dma_start3A_483 = arith.constant 0 : i32
        %dma_start3A_484 = arith.constant 0 : i32
        %dma_start3A_485 = tpu.memref_slice %arg3[%dma_start3A_483, %dma_start3A_484] : memref<1000000x64xf32, #tpu.memory_space<hbm>> -> memref<1000000x64xf32, #tpu.memory_space<hbm>>
        tpu.enqueue_indirect_dma source(%dma_start3A_485 : memref<1000000x64xf32, #tpu.memory_space<hbm>>) target(%dma_start3A_479 : memref<72x64xf32, #tpu.memory_space<vmem>>) offsets(%dma_start3A_482 : memref<72xi32, #tpu.memory_space<vmem>>) semaphore(%arg14 : memref<!tpu.dma_semaphore, #tpu.memory_space<semaphore_mem>>)
      } else {
      }
      %mul3A_161 = arith.constant 4 : i32
      %mul3A_162 = arith.muli %mul3A_161, %scan3A_68 : i32
      %add3A_163 = arith.constant 1 : i32
      %add3A_164 = arith.addi %mul3A_162, %add3A_163 : i32
      %dma_wait3A_165 = arith.constant 0 : i32
      %dma_wait3A_166 = arith.constant 0 : i32
      %dma_wait3A_167 = tpu.memref_slice %arg3[%dma_wait3A_165, %dma_wait3A_166] : memref<1000000x64xf32, #tpu.memory_space<hbm>> -> memref<200x64xf32, #tpu.memory_space<hbm>>
      %dma_wait3A_168 = arith.constant 0 : i32
      %dma_wait3A_169 = arith.constant 0 : i32
      %dma_wait3A_170 = tpu.memref_slice %arg3[%dma_wait3A_168, %dma_wait3A_169] : memref<1000000x64xf32, #tpu.memory_space<hbm>> -> memref<200x64xf32, #tpu.memory_space<hbm>>
      tpu.wait_dma2 semaphore(%arg12 : memref<!tpu.dma_semaphore, #tpu.memory_space<semaphore_mem>>) src(%dma_wait3A_170 : memref<200x64xf32, #tpu.memory_space<hbm>>) dst(%arg7 : memref<200x64xf32, #tpu.memory_space<vmem>>)
      %scan3A_171 = arith.constant 0 : i32
      %scan3A_172 = arith.constant 100 : i32
      %scan3A_173 = arith.addi %scan3A_171, %scan3A_172 : i32
      %scan3A_174 = arith.constant 4 : i32
      %scan3A_175:8 = scf.for %scan3A_464 = %scan3A_171 to %scan3A_173 step %scan3A_174 iter_args(%scan3A_465 = %broadcast_in_dim3A_3, %scan3A_466 = %broadcast_in_dim3A_3, %scan3A_467 = %broadcast_in_dim3A_3, %scan3A_468 = %broadcast_in_dim3A_3, %scan3A_469 = %broadcast_in_dim3A_3, %scan3A_470 = %broadcast_in_dim3A_3, %scan3A_471 = %broadcast_in_dim3A_3, %scan3A_472 = %broadcast_in_dim3A_3) -> (vector<16xf32>, vector<16xf32>, vector<16xf32>, vector<16xf32>, vector<16xf32>, vector<16xf32>, vector<16xf32>, vector<16xf32>)  : i32 {
        %mul3A_473 = arith.constant 2 : i32
        %mul3A_474 = arith.muli %mul3A_473, %scan3A_464 : i32
        %mul3A_475 = arith.constant 2 : i32
        %mul3A_476 = arith.muli %mul3A_475, %scan3A_464 : i32
        %add3A_477 = arith.constant 1 : i32
        %add3A_478 = arith.addi %mul3A_476, %add3A_477 : i32
        %get3A = arith.index_cast %mul3A_474 : i32 to index
        %get3A_479 = arith.constant 0 : index
        %get3A_480 = tpu.vector_load %arg7[%get3A, %get3A_479] {strides = array<i32>} : memref<200x64xf32, #tpu.memory_space<vmem>>, vector<1x16xf32>,
        %get3A_481 = vector.shape_cast %get3A_480 : vector<1x16xf32> to vector<16xf32>
        %max3A_482 = arith.maximumf %scan3A_465, %get3A_481 : vector<16xf32>
        %get3A_483 = arith.index_cast %mul3A_474 : i32 to index
        %get3A_484 = arith.constant 16 : index
        %get3A_485 = tpu.vector_load %arg7[%get3A_483, %get3A_484] {strides = array<i32>} : memref<200x64xf32, #tpu.memory_space<vmem>>, vector<1x16xf32>,
        %get3A_486 = vector.shape_cast %get3A_485 : vector<1x16xf32> to vector<16xf32>
        %max3A_487 = arith.maximumf %scan3A_466, %get3A_486 : vector<16xf32>
        %get3A_488 = arith.index_cast %mul3A_474 : i32 to index
        %get3A_489 = arith.constant 32 : index
        %get3A_490 = tpu.vector_load %arg7[%get3A_488, %get3A_489] {strides = array<i32>} : memref<200x64xf32, #tpu.memory_space<vmem>>, vector<1x16xf32>,
        %get3A_491 = vector.shape_cast %get3A_490 : vector<1x16xf32> to vector<16xf32>
        %max3A_492 = arith.maximumf %scan3A_467, %get3A_491 : vector<16xf32>
        %get3A_493 = arith.index_cast %mul3A_474 : i32 to index
        %get3A_494 = arith.constant 48 : index
        %get3A_495 = tpu.vector_load %arg7[%get3A_493, %get3A_494] {strides = array<i32>} : memref<200x64xf32, #tpu.memory_space<vmem>>, vector<1x16xf32>,
        %get3A_496 = vector.shape_cast %get3A_495 : vector<1x16xf32> to vector<16xf32>
        %max3A_497 = arith.maximumf %scan3A_468, %get3A_496 : vector<16xf32>
        %get3A_498 = arith.index_cast %add3A_478 : i32 to index
        %get3A_499 = arith.constant 0 : index
        %get3A_500 = tpu.vector_load %arg7[%get3A_498, %get3A_499] {strides = array<i32>} : memref<200x64xf32, #tpu.memory_space<vmem>>, vector<1x16xf32>,
        %get3A_501 = vector.shape_cast %get3A_500 : vector<1x16xf32> to vector<16xf32>
        %max3A_502 = arith.maximumf %scan3A_469, %get3A_501 : vector<16xf32>
        %get3A_503 = arith.index_cast %add3A_478 : i32 to index
        %get3A_504 = arith.constant 16 : index
        %get3A_505 = tpu.vector_load %arg7[%get3A_503, %get3A_504] {strides = array<i32>} : memref<200x64xf32, #tpu.memory_space<vmem>>, vector<1x16xf32>,
        %get3A_506 = vector.shape_cast %get3A_505 : vector<1x16xf32> to vector<16xf32>
        %max3A_507 = arith.maximumf %scan3A_470, %get3A_506 : vector<16xf32>
        %get3A_508 = arith.index_cast %add3A_478 : i32 to index
        %get3A_509 = arith.constant 32 : index
        %get3A_510 = tpu.vector_load %arg7[%get3A_508, %get3A_509] {strides = array<i32>} : memref<200x64xf32, #tpu.memory_space<vmem>>, vector<1x16xf32>,
        %get3A_511 = vector.shape_cast %get3A_510 : vector<1x16xf32> to vector<16xf32>
        %max3A_512 = arith.maximumf %scan3A_471, %get3A_511 : vector<16xf32>
        %get3A_513 = arith.index_cast %add3A_478 : i32 to index
        %get3A_514 = arith.constant 48 : index
        %get3A_515 = tpu.vector_load %arg7[%get3A_513, %get3A_514] {strides = array<i32>} : memref<200x64xf32, #tpu.memory_space<vmem>>, vector<1x16xf32>,
        %get3A_516 = vector.shape_cast %get3A_515 : vector<1x16xf32> to vector<16xf32>
        %max3A_517 = arith.maximumf %scan3A_472, %get3A_516 : vector<16xf32>
        %scan3A_518 = arith.constant 1 : i32
        %scan3A_519 = arith.addi %scan3A_464, %scan3A_518 : i32
        %mul3A_520 = arith.constant 2 : i32
        %mul3A_521 = arith.muli %mul3A_520, %scan3A_519 : i32
        %mul3A_522 = arith.constant 2 : i32
        %mul3A_523 = arith.muli %mul3A_522, %scan3A_519 : i32
        %add3A_524 = arith.constant 1 : i32
        %add3A_525 = arith.addi %mul3A_523, %add3A_524 : i32
        %get3A_526 = arith.index_cast %mul3A_521 : i32 to index
        %get3A_527 = arith.constant 0 : index
        %get3A_528 = tpu.vector_load %arg7[%get3A_526, %get3A_527] {strides = array<i32>} : memref<200x64xf32, #tpu.memory_space<vmem>>, vector<1x16xf32>,
        %get3A_529 = vector.shape_cast %get3A_528 : vector<1x16xf32> to vector<16xf32>
        %max3A_530 = arith.maximumf %max3A_482, %get3A_529 : vector<16xf32>
        %get3A_531 = arith.index_cast %mul3A_521 : i32 to index
        %get3A_532 = arith.constant 16 : index
        %get3A_533 = tpu.vector_load %arg7[%get3A_531, %get3A_532] {strides = array<i32>} : memref<200x64xf32, #tpu.memory_space<vmem>>, vector<1x16xf32>,
        %get3A_534 = vector.shape_cast %get3A_533 : vector<1x16xf32> to vector<16xf32>
        %max3A_535 = arith.maximumf %max3A_487, %get3A_534 : vector<16xf32>
        %get3A_536 = arith.index_cast %mul3A_521 : i32 to index
        %get3A_537 = arith.constant 32 : index
        %get3A_538 = tpu.vector_load %arg7[%get3A_536, %get3A_537] {strides = array<i32>} : memref<200x64xf32, #tpu.memory_space<vmem>>, vector<1x16xf32>,
        %get3A_539 = vector.shape_cast %get3A_538 : vector<1x16xf32> to vector<16xf32>
        %max3A_540 = arith.maximumf %max3A_492, %get3A_539 : vector<16xf32>
        %get3A_541 = arith.index_cast %mul3A_521 : i32 to index
        %get3A_542 = arith.constant 48 : index
        %get3A_543 = tpu.vector_load %arg7[%get3A_541, %get3A_542] {strides = array<i32>} : memref<200x64xf32, #tpu.memory_space<vmem>>, vector<1x16xf32>,
        %get3A_544 = vector.shape_cast %get3A_543 : vector<1x16xf32> to vector<16xf32>
        %max3A_545 = arith.maximumf %max3A_497, %get3A_544 : vector<16xf32>
        %get3A_546 = arith.index_cast %add3A_525 : i32 to index
        %get3A_547 = arith.constant 0 : index
        %get3A_548 = tpu.vector_load %arg7[%get3A_546, %get3A_547] {strides = array<i32>} : memref<200x64xf32, #tpu.memory_space<vmem>>, vector<1x16xf32>,
        %get3A_549 = vector.shape_cast %get3A_548 : vector<1x16xf32> to vector<16xf32>
        %max3A_550 = arith.maximumf %max3A_502, %get3A_549 : vector<16xf32>
        %get3A_551 = arith.index_cast %add3A_525 : i32 to index
        %get3A_552 = arith.constant 16 : index
        %get3A_553 = tpu.vector_load %arg7[%get3A_551, %get3A_552] {strides = array<i32>} : memref<200x64xf32, #tpu.memory_space<vmem>>, vector<1x16xf32>,
        %get3A_554 = vector.shape_cast %get3A_553 : vector<1x16xf32> to vector<16xf32>
        %max3A_555 = arith.maximumf %max3A_507, %get3A_554 : vector<16xf32>
        %get3A_556 = arith.index_cast %add3A_525 : i32 to index
        %get3A_557 = arith.constant 32 : index
        %get3A_558 = tpu.vector_load %arg7[%get3A_556, %get3A_557] {strides = array<i32>} : memref<200x64xf32, #tpu.memory_space<vmem>>, vector<1x16xf32>,
        %get3A_559 = vector.shape_cast %get3A_558 : vector<1x16xf32> to vector<16xf32>
        %max3A_560 = arith.maximumf %max3A_512, %get3A_559 : vector<16xf32>
        %get3A_561 = arith.index_cast %add3A_525 : i32 to index
        %get3A_562 = arith.constant 48 : index
        %get3A_563 = tpu.vector_load %arg7[%get3A_561, %get3A_562] {strides = array<i32>} : memref<200x64xf32, #tpu.memory_space<vmem>>, vector<1x16xf32>,
        %get3A_564 = vector.shape_cast %get3A_563 : vector<1x16xf32> to vector<16xf32>
        %max3A_565 = arith.maximumf %max3A_517, %get3A_564 : vector<16xf32>
        %scan3A_566 = arith.constant 2 : i32
        %scan3A_567 = arith.addi %scan3A_464, %scan3A_566 : i32
        %mul3A_568 = arith.constant 2 : i32
        %mul3A_569 = arith.muli %mul3A_568, %scan3A_567 : i32
        %mul3A_570 = arith.constant 2 : i32
        %mul3A_571 = arith.muli %mul3A_570, %scan3A_567 : i32
        %add3A_572 = arith.constant 1 : i32
        %add3A_573 = arith.addi %mul3A_571, %add3A_572 : i32
        %get3A_574 = arith.index_cast %mul3A_569 : i32 to index
        %get3A_575 = arith.constant 0 : index
        %get3A_576 = tpu.vector_load %arg7[%get3A_574, %get3A_575] {strides = array<i32>} : memref<200x64xf32, #tpu.memory_space<vmem>>, vector<1x16xf32>,
        %get3A_577 = vector.shape_cast %get3A_576 : vector<1x16xf32> to vector<16xf32>
        %max3A_578 = arith.maximumf %max3A_530, %get3A_577 : vector<16xf32>
        %get3A_579 = arith.index_cast %mul3A_569 : i32 to index
        %get3A_580 = arith.constant 16 : index
        %get3A_581 = tpu.vector_load %arg7[%get3A_579, %get3A_580] {strides = array<i32>} : memref<200x64xf32, #tpu.memory_space<vmem>>, vector<1x16xf32>,
        %get3A_582 = vector.shape_cast %get3A_581 : vector<1x16xf32> to vector<16xf32>
        %max3A_583 = arith.maximumf %max3A_535, %get3A_582 : vector<16xf32>
        %get3A_584 = arith.index_cast %mul3A_569 : i32 to index
        %get3A_585 = arith.constant 32 : index
        %get3A_586 = tpu.vector_load %arg7[%get3A_584, %get3A_585] {strides = array<i32>} : memref<200x64xf32, #tpu.memory_space<vmem>>, vector<1x16xf32>,
        %get3A_587 = vector.shape_cast %get3A_586 : vector<1x16xf32> to vector<16xf32>
        %max3A_588 = arith.maximumf %max3A_540, %get3A_587 : vector<16xf32>
        %get3A_589 = arith.index_cast %mul3A_569 : i32 to index
        %get3A_590 = arith.constant 48 : index
        %get3A_591 = tpu.vector_load %arg7[%get3A_589, %get3A_590] {strides = array<i32>} : memref<200x64xf32, #tpu.memory_space<vmem>>, vector<1x16xf32>,
        %get3A_592 = vector.shape_cast %get3A_591 : vector<1x16xf32> to vector<16xf32>
        %max3A_593 = arith.maximumf %max3A_545, %get3A_592 : vector<16xf32>
        %get3A_594 = arith.index_cast %add3A_573 : i32 to index
        %get3A_595 = arith.constant 0 : index
        %get3A_596 = tpu.vector_load %arg7[%get3A_594, %get3A_595] {strides = array<i32>} : memref<200x64xf32, #tpu.memory_space<vmem>>, vector<1x16xf32>,
        %get3A_597 = vector.shape_cast %get3A_596 : vector<1x16xf32> to vector<16xf32>
        %max3A_598 = arith.maximumf %max3A_550, %get3A_597 : vector<16xf32>
        %get3A_599 = arith.index_cast %add3A_573 : i32 to index
        %get3A_600 = arith.constant 16 : index
        %get3A_601 = tpu.vector_load %arg7[%get3A_599, %get3A_600] {strides = array<i32>} : memref<200x64xf32, #tpu.memory_space<vmem>>, vector<1x16xf32>,
        %get3A_602 = vector.shape_cast %get3A_601 : vector<1x16xf32> to vector<16xf32>
        %max3A_603 = arith.maximumf %max3A_555, %get3A_602 : vector<16xf32>
        %get3A_604 = arith.index_cast %add3A_573 : i32 to index
        %get3A_605 = arith.constant 32 : index
        %get3A_606 = tpu.vector_load %arg7[%get3A_604, %get3A_605] {strides = array<i32>} : memref<200x64xf32, #tpu.memory_space<vmem>>, vector<1x16xf32>,
        %get3A_607 = vector.shape_cast %get3A_606 : vector<1x16xf32> to vector<16xf32>
        %max3A_608 = arith.maximumf %max3A_560, %get3A_607 : vector<16xf32>
        %get3A_609 = arith.index_cast %add3A_573 : i32 to index
        %get3A_610 = arith.constant 48 : index
        %get3A_611 = tpu.vector_load %arg7[%get3A_609, %get3A_610] {strides = array<i32>} : memref<200x64xf32, #tpu.memory_space<vmem>>, vector<1x16xf32>,
        %get3A_612 = vector.shape_cast %get3A_611 : vector<1x16xf32> to vector<16xf32>
        %max3A_613 = arith.maximumf %max3A_565, %get3A_612 : vector<16xf32>
        %scan3A_614 = arith.constant 3 : i32
        %scan3A_615 = arith.addi %scan3A_464, %scan3A_614 : i32
        %mul3A_616 = arith.constant 2 : i32
        %mul3A_617 = arith.muli %mul3A_616, %scan3A_615 : i32
        %mul3A_618 = arith.constant 2 : i32
        %mul3A_619 = arith.muli %mul3A_618, %scan3A_615 : i32
        %add3A_620 = arith.constant 1 : i32
        %add3A_621 = arith.addi %mul3A_619, %add3A_620 : i32
        %get3A_622 = arith.index_cast %mul3A_617 : i32 to index
        %get3A_623 = arith.constant 0 : index
        %get3A_624 = tpu.vector_load %arg7[%get3A_622, %get3A_623] {strides = array<i32>} : memref<200x64xf32, #tpu.memory_space<vmem>>, vector<1x16xf32>,
        %get3A_625 = vector.shape_cast %get3A_624 : vector<1x16xf32> to vector<16xf32>
        %max3A_626 = arith.maximumf %max3A_578, %get3A_625 : vector<16xf32>
        %get3A_627 = arith.index_cast %mul3A_617 : i32 to index
        %get3A_628 = arith.constant 16 : index
        %get3A_629 = tpu.vector_load %arg7[%get3A_627, %get3A_628] {strides = array<i32>} : memref<200x64xf32, #tpu.memory_space<vmem>>, vector<1x16xf32>,
        %get3A_630 = vector.shape_cast %get3A_629 : vector<1x16xf32> to vector<16xf32>
        %max3A_631 = arith.maximumf %max3A_583, %get3A_630 : vector<16xf32>
        %get3A_632 = arith.index_cast %mul3A_617 : i32 to index
        %get3A_633 = arith.constant 32 : index
        %get3A_634 = tpu.vector_load %arg7[%get3A_632, %get3A_633] {strides = array<i32>} : memref<200x64xf32, #tpu.memory_space<vmem>>, vector<1x16xf32>,
        %get3A_635 = vector.shape_cast %get3A_634 : vector<1x16xf32> to vector<16xf32>
        %max3A_636 = arith.maximumf %max3A_588, %get3A_635 : vector<16xf32>
        %get3A_637 = arith.index_cast %mul3A_617 : i32 to index
        %get3A_638 = arith.constant 48 : index
        %get3A_639 = tpu.vector_load %arg7[%get3A_637, %get3A_638] {strides = array<i32>} : memref<200x64xf32, #tpu.memory_space<vmem>>, vector<1x16xf32>,
        %get3A_640 = vector.shape_cast %get3A_639 : vector<1x16xf32> to vector<16xf32>
        %max3A_641 = arith.maximumf %max3A_593, %get3A_640 : vector<16xf32>
        %get3A_642 = arith.index_cast %add3A_621 : i32 to index
        %get3A_643 = arith.constant 0 : index
        %get3A_644 = tpu.vector_load %arg7[%get3A_642, %get3A_643] {strides = array<i32>} : memref<200x64xf32, #tpu.memory_space<vmem>>, vector<1x16xf32>,
        %get3A_645 = vector.shape_cast %get3A_644 : vector<1x16xf32> to vector<16xf32>
        %max3A_646 = arith.maximumf %max3A_598, %get3A_645 : vector<16xf32>
        %get3A_647 = arith.index_cast %add3A_621 : i32 to index
        %get3A_648 = arith.constant 16 : index
        %get3A_649 = tpu.vector_load %arg7[%get3A_647, %get3A_648] {strides = array<i32>} : memref<200x64xf32, #tpu.memory_space<vmem>>, vector<1x16xf32>,
        %get3A_650 = vector.shape_cast %get3A_649 : vector<1x16xf32> to vector<16xf32>
        %max3A_651 = arith.maximumf %max3A_603, %get3A_650 : vector<16xf32>
        %get3A_652 = arith.index_cast %add3A_621 : i32 to index
        %get3A_653 = arith.constant 32 : index
        %get3A_654 = tpu.vector_load %arg7[%get3A_652, %get3A_653] {strides = array<i32>} : memref<200x64xf32, #tpu.memory_space<vmem>>, vector<1x16xf32>,
        %get3A_655 = vector.shape_cast %get3A_654 : vector<1x16xf32> to vector<16xf32>
        %max3A_656 = arith.maximumf %max3A_608, %get3A_655 : vector<16xf32>
        %get3A_657 = arith.index_cast %add3A_621 : i32 to index
        %get3A_658 = arith.constant 48 : index
        %get3A_659 = tpu.vector_load %arg7[%get3A_657, %get3A_658] {strides = array<i32>} : memref<200x64xf32, #tpu.memory_space<vmem>>, vector<1x16xf32>,
        %get3A_660 = vector.shape_cast %get3A_659 : vector<1x16xf32> to vector<16xf32>
        %max3A_661 = arith.maximumf %max3A_613, %get3A_660 : vector<16xf32>
        scf.yield %max3A_626, %max3A_631, %max3A_636, %max3A_641, %max3A_646, %max3A_651, %max3A_656, %max3A_661 : vector<16xf32>, vector<16xf32>, vector<16xf32>, vector<16xf32>, vector<16xf32>, vector<16xf32>, vector<16xf32>, vector<16xf32>
      }
      %scan3A_176 = arith.constant 100 : i32
      %max3A_177 = arith.maximumf %scan3A_175#0, %scan3A_175#4 : vector<16xf32>
      %mul3A_178 = arith.constant 2.000000e+00 : f32
      %mul3A_179 = vector.broadcast %mul3A_178 : f32 to vector<16xf32>
      %mul3A_180 = arith.mulf %mul3A_179, %max3A_177 : vector<16xf32>
      %exp3A_181 = math.exp %mul3A_180 : vector<16xf32>
      %add3A_182 = arith.constant 1.000000e+00 : f32
      %add3A_183 = vector.broadcast %add3A_182 : f32 to vector<16xf32>
      %add3A_184 = arith.addf %exp3A_181, %add3A_183 : vector<16xf32>
      %div3A_185 = arith.constant 2.000000e+00 : f32
      %div3A_186 = vector.broadcast %div3A_185 : f32 to vector<16xf32>
      %div3A_187 = arith.divf %div3A_186, %add3A_184 : vector<16xf32>
      %sub3A_188 = arith.constant 1.000000e+00 : f32
      %sub3A_189 = vector.broadcast %sub3A_188 : f32 to vector<16xf32>
      %sub3A_190 = arith.subf %sub3A_189, %div3A_187 : vector<16xf32>
      %swap3A_191 = arith.index_cast %add3A_164 : i32 to index
      %swap3A_192 = arith.constant 0 : index
      %swap3A_193 = tpu.vector_load %arg10[%swap3A_191, %swap3A_192] {strides = array<i32>} : memref<128x64xf32, #tpu.memory_space<vmem>>, vector<1x16xf32>,
      %swap3A_194 = vector.shape_cast %swap3A_193 : vector<1x16xf32> to vector<16xf32>
      %swap3A_195 = vector.shape_cast %sub3A_190 : vector<16xf32> to vector<1x16xf32>
      tpu.vector_store %arg10[%swap3A_191, %swap3A_192], %swap3A_195 {strides = array<i32>} : memref<128x64xf32, #tpu.memory_space<vmem>>, vector<1x16xf32>,
      %max3A_196 = arith.maximumf %scan3A_175#1, %scan3A_175#5 : vector<16xf32>
      %mul3A_197 = arith.constant 2.000000e+00 : f32
      %mul3A_198 = vector.broadcast %mul3A_197 : f32 to vector<16xf32>
      %mul3A_199 = arith.mulf %mul3A_198, %max3A_196 : vector<16xf32>
      %exp3A_200 = math.exp %mul3A_199 : vector<16xf32>
      %add3A_201 = arith.constant 1.000000e+00 : f32
      %add3A_202 = vector.broadcast %add3A_201 : f32 to vector<16xf32>
      %add3A_203 = arith.addf %exp3A_200, %add3A_202 : vector<16xf32>
      %div3A_204 = arith.constant 2.000000e+00 : f32
      %div3A_205 = vector.broadcast %div3A_204 : f32 to vector<16xf32>
      %div3A_206 = arith.divf %div3A_205, %add3A_203 : vector<16xf32>
      %sub3A_207 = arith.constant 1.000000e+00 : f32
      %sub3A_208 = vector.broadcast %sub3A_207 : f32 to vector<16xf32>
      %sub3A_209 = arith.subf %sub3A_208, %div3A_206 : vector<16xf32>
      %swap3A_210 = arith.index_cast %add3A_164 : i32 to index
      %swap3A_211 = arith.constant 16 : index
      %swap3A_212 = tpu.vector_load %arg10[%swap3A_210, %swap3A_211] {strides = array<i32>} : memref<128x64xf32, #tpu.memory_space<vmem>>, vector<1x16xf32>,
      %swap3A_213 = vector.shape_cast %swap3A_212 : vector<1x16xf32> to vector<16xf32>
      %swap3A_214 = vector.shape_cast %sub3A_209 : vector<16xf32> to vector<1x16xf32>
      tpu.vector_store %arg10[%swap3A_210, %swap3A_211], %swap3A_214 {strides = array<i32>} : memref<128x64xf32, #tpu.memory_space<vmem>>, vector<1x16xf32>,
      %max3A_215 = arith.maximumf %scan3A_175#2, %scan3A_175#6 : vector<16xf32>
      %mul3A_216 = arith.constant 2.000000e+00 : f32
      %mul3A_217 = vector.broadcast %mul3A_216 : f32 to vector<16xf32>
      %mul3A_218 = arith.mulf %mul3A_217, %max3A_215 : vector<16xf32>
      %exp3A_219 = math.exp %mul3A_218 : vector<16xf32>
      %add3A_220 = arith.constant 1.000000e+00 : f32
      %add3A_221 = vector.broadcast %add3A_220 : f32 to vector<16xf32>
      %add3A_222 = arith.addf %exp3A_219, %add3A_221 : vector<16xf32>
      %div3A_223 = arith.constant 2.000000e+00 : f32
      %div3A_224 = vector.broadcast %div3A_223 : f32 to vector<16xf32>
      %div3A_225 = arith.divf %div3A_224, %add3A_222 : vector<16xf32>
      %sub3A_226 = arith.constant 1.000000e+00 : f32
      %sub3A_227 = vector.broadcast %sub3A_226 : f32 to vector<16xf32>
      %sub3A_228 = arith.subf %sub3A_227, %div3A_225 : vector<16xf32>
      %swap3A_229 = arith.index_cast %add3A_164 : i32 to index
      %swap3A_230 = arith.constant 32 : index
      %swap3A_231 = tpu.vector_load %arg10[%swap3A_229, %swap3A_230] {strides = array<i32>} : memref<128x64xf32, #tpu.memory_space<vmem>>, vector<1x16xf32>,
      %swap3A_232 = vector.shape_cast %swap3A_231 : vector<1x16xf32> to vector<16xf32>
      %swap3A_233 = vector.shape_cast %sub3A_228 : vector<16xf32> to vector<1x16xf32>
      tpu.vector_store %arg10[%swap3A_229, %swap3A_230], %swap3A_233 {strides = array<i32>} : memref<128x64xf32, #tpu.memory_space<vmem>>, vector<1x16xf32>,
      %max3A_234 = arith.maximumf %scan3A_175#3, %scan3A_175#7 : vector<16xf32>
      %mul3A_235 = arith.constant 2.000000e+00 : f32
      %mul3A_236 = vector.broadcast %mul3A_235 : f32 to vector<16xf32>
      %mul3A_237 = arith.mulf %mul3A_236, %max3A_234 : vector<16xf32>
      %exp3A_238 = math.exp %mul3A_237 : vector<16xf32>
      %add3A_239 = arith.constant 1.000000e+00 : f32
      %add3A_240 = vector.broadcast %add3A_239 : f32 to vector<16xf32>
      %add3A_241 = arith.addf %exp3A_238, %add3A_240 : vector<16xf32>
      %div3A_242 = arith.constant 2.000000e+00 : f32
      %div3A_243 = vector.broadcast %div3A_242 : f32 to vector<16xf32>
      %div3A_244 = arith.divf %div3A_243, %add3A_241 : vector<16xf32>
      %sub3A_245 = arith.constant 1.000000e+00 : f32
      %sub3A_246 = vector.broadcast %sub3A_245 : f32 to vector<16xf32>
      %sub3A_247 = arith.subf %sub3A_246, %div3A_244 : vector<16xf32>
      %swap3A_248 = arith.index_cast %add3A_164 : i32 to index
      %swap3A_249 = arith.constant 48 : index
      %swap3A_250 = tpu.vector_load %arg10[%swap3A_248, %swap3A_249] {strides = array<i32>} : memref<128x64xf32, #tpu.memory_space<vmem>>, vector<1x16xf32>,
      %swap3A_251 = vector.shape_cast %swap3A_250 : vector<1x16xf32> to vector<16xf32>
      %swap3A_252 = vector.shape_cast %sub3A_247 : vector<16xf32> to vector<1x16xf32>
      tpu.vector_store %arg10[%swap3A_248, %swap3A_249], %swap3A_252 {strides = array<i32>} : memref<128x64xf32, #tpu.memory_space<vmem>>, vector<1x16xf32>,
      %add3A_253 = arith.constant 4 : i32
      %add3A_254 = arith.addi %add3A_164, %add3A_253 : i32
      %sub3A_255 = arith.constant 1 : i32
      %sub3A_256 = arith.subi %add3A_254, %sub3A_255 : i32
      %lt3A_257 = arith.constant 128 : i32
      %lt3A_258 = arith.cmpi slt, %sub3A_256, %lt3A_257 : i32
      %convert_element_type3A_259 = arith.extui %lt3A_258 : i1 to i32
      %cond3A_260 = arith.constant 0 : i32
      %cond3A_261 = arith.cmpi ne, %convert_element_type3A_259, %cond3A_260 : i32
      scf.if %cond3A_261 {
        %add3A_464 = arith.constant 4 : i32
        %add3A_465 = arith.addi %add3A_164, %add3A_464 : i32
        %sub3A_466 = arith.constant 1 : i32
        %sub3A_467 = arith.subi %add3A_465, %sub3A_466 : i32
        %dma_start3A_468 = arith.constant 0 : i32
        %dma_start3A_469 = arith.constant 0 : i32
        %dma_start3A_470 = tpu.memref_slice %arg6[%dma_start3A_468, %dma_start3A_469] : memref<200x64xf32, #tpu.memory_space<vmem>> -> memref<128x64xf32, #tpu.memory_space<vmem>>
        %dma_start3A_471 = arith.constant 0 : i32
        %dma_start3A_472 = tpu.memref_slice %arg5[%sub3A_467, %dma_start3A_471] : memref<128x200xi32, #tpu.memory_space<vmem>> -> memref<1x128xi32, #tpu.memory_space<vmem>>
        %dma_start3A_473 = tpu.memref_squeeze %dma_start3A_472 : memref<1x128xi32, #tpu.memory_space<vmem>> -> memref<128xi32, #tpu.memory_space<vmem>>
        %dma_start3A_474 = arith.constant 0 : i32
        %dma_start3A_475 = arith.constant 0 : i32
        %dma_start3A_476 = tpu.memref_slice %arg3[%dma_start3A_474, %dma_start3A_475] : memref<1000000x64xf32, #tpu.memory_space<hbm>> -> memref<1000000x64xf32, #tpu.memory_space<hbm>>
        tpu.enqueue_indirect_dma source(%dma_start3A_476 : memref<1000000x64xf32, #tpu.memory_space<hbm>>) target(%dma_start3A_470 : memref<128x64xf32, #tpu.memory_space<vmem>>) offsets(%dma_start3A_473 : memref<128xi32, #tpu.memory_space<vmem>>) semaphore(%arg11 : memref<!tpu.dma_semaphore, #tpu.memory_space<semaphore_mem>>)
        %dma_start3A_477 = arith.constant 128 : i32
        %dma_start3A_478 = arith.constant 0 : i32
        %dma_start3A_479 = tpu.memref_slice %arg6[%dma_start3A_477, %dma_start3A_478] : memref<200x64xf32, #tpu.memory_space<vmem>> -> memref<72x64xf32, #tpu.memory_space<vmem>>
        %dma_start3A_480 = arith.constant 128 : i32
        %dma_start3A_481 = tpu.memref_slice %arg5[%sub3A_467, %dma_start3A_480] : memref<128x200xi32, #tpu.memory_space<vmem>> -> memref<1x72xi32, #tpu.memory_space<vmem>>
        %dma_start3A_482 = tpu.memref_squeeze %dma_start3A_481 : memref<1x72xi32, #tpu.memory_space<vmem>> -> memref<72xi32, #tpu.memory_space<vmem>>
        %dma_start3A_483 = arith.constant 0 : i32
        %dma_start3A_484 = arith.constant 0 : i32
        %dma_start3A_485 = tpu.memref_slice %arg3[%dma_start3A_483, %dma_start3A_484] : memref<1000000x64xf32, #tpu.memory_space<hbm>> -> memref<1000000x64xf32, #tpu.memory_space<hbm>>
        tpu.enqueue_indirect_dma source(%dma_start3A_485 : memref<1000000x64xf32, #tpu.memory_space<hbm>>) target(%dma_start3A_479 : memref<72x64xf32, #tpu.memory_space<vmem>>) offsets(%dma_start3A_482 : memref<72xi32, #tpu.memory_space<vmem>>) semaphore(%arg11 : memref<!tpu.dma_semaphore, #tpu.memory_space<semaphore_mem>>)
      } else {
      }
      %mul3A_262 = arith.constant 4 : i32
      %mul3A_263 = arith.muli %mul3A_262, %scan3A_68 : i32
      %add3A_264 = arith.constant 2 : i32
      %add3A_265 = arith.addi %mul3A_263, %add3A_264 : i32
      %dma_wait3A_266 = arith.constant 0 : i32
      %dma_wait3A_267 = arith.constant 0 : i32
      %dma_wait3A_268 = tpu.memref_slice %arg3[%dma_wait3A_266, %dma_wait3A_267] : memref<1000000x64xf32, #tpu.memory_space<hbm>> -> memref<200x64xf32, #tpu.memory_space<hbm>>
      %dma_wait3A_269 = arith.constant 0 : i32
      %dma_wait3A_270 = arith.constant 0 : i32
      %dma_wait3A_271 = tpu.memref_slice %arg3[%dma_wait3A_269, %dma_wait3A_270] : memref<1000000x64xf32, #tpu.memory_space<hbm>> -> memref<200x64xf32, #tpu.memory_space<hbm>>
      tpu.wait_dma2 semaphore(%arg13 : memref<!tpu.dma_semaphore, #tpu.memory_space<semaphore_mem>>) src(%dma_wait3A_271 : memref<200x64xf32, #tpu.memory_space<hbm>>) dst(%arg8 : memref<200x64xf32, #tpu.memory_space<vmem>>)
      %scan3A_272 = arith.constant 0 : i32
      %scan3A_273 = arith.constant 100 : i32
      %scan3A_274 = arith.addi %scan3A_272, %scan3A_273 : i32
      %scan3A_275 = arith.constant 4 : i32
      %scan3A_276:8 = scf.for %scan3A_464 = %scan3A_272 to %scan3A_274 step %scan3A_275 iter_args(%scan3A_465 = %broadcast_in_dim3A_3, %scan3A_466 = %broadcast_in_dim3A_3, %scan3A_467 = %broadcast_in_dim3A_3, %scan3A_468 = %broadcast_in_dim3A_3, %scan3A_469 = %broadcast_in_dim3A_3, %scan3A_470 = %broadcast_in_dim3A_3, %scan3A_471 = %broadcast_in_dim3A_3, %scan3A_472 = %broadcast_in_dim3A_3) -> (vector<16xf32>, vector<16xf32>, vector<16xf32>, vector<16xf32>, vector<16xf32>, vector<16xf32>, vector<16xf32>, vector<16xf32>)  : i32 {
        %mul3A_473 = arith.constant 2 : i32
        %mul3A_474 = arith.muli %mul3A_473, %scan3A_464 : i32
        %mul3A_475 = arith.constant 2 : i32
        %mul3A_476 = arith.muli %mul3A_475, %scan3A_464 : i32
        %add3A_477 = arith.constant 1 : i32
        %add3A_478 = arith.addi %mul3A_476, %add3A_477 : i32
        %get3A = arith.index_cast %mul3A_474 : i32 to index
        %get3A_479 = arith.constant 0 : index
        %get3A_480 = tpu.vector_load %arg8[%get3A, %get3A_479] {strides = array<i32>} : memref<200x64xf32, #tpu.memory_space<vmem>>, vector<1x16xf32>,
        %get3A_481 = vector.shape_cast %get3A_480 : vector<1x16xf32> to vector<16xf32>
        %max3A_482 = arith.maximumf %scan3A_465, %get3A_481 : vector<16xf32>
        %get3A_483 = arith.index_cast %mul3A_474 : i32 to index
        %get3A_484 = arith.constant 16 : index
        %get3A_485 = tpu.vector_load %arg8[%get3A_483, %get3A_484] {strides = array<i32>} : memref<200x64xf32, #tpu.memory_space<vmem>>, vector<1x16xf32>,
        %get3A_486 = vector.shape_cast %get3A_485 : vector<1x16xf32> to vector<16xf32>
        %max3A_487 = arith.maximumf %scan3A_466, %get3A_486 : vector<16xf32>
        %get3A_488 = arith.index_cast %mul3A_474 : i32 to index
        %get3A_489 = arith.constant 32 : index
        %get3A_490 = tpu.vector_load %arg8[%get3A_488, %get3A_489] {strides = array<i32>} : memref<200x64xf32, #tpu.memory_space<vmem>>, vector<1x16xf32>,
        %get3A_491 = vector.shape_cast %get3A_490 : vector<1x16xf32> to vector<16xf32>
        %max3A_492 = arith.maximumf %scan3A_467, %get3A_491 : vector<16xf32>
        %get3A_493 = arith.index_cast %mul3A_474 : i32 to index
        %get3A_494 = arith.constant 48 : index
        %get3A_495 = tpu.vector_load %arg8[%get3A_493, %get3A_494] {strides = array<i32>} : memref<200x64xf32, #tpu.memory_space<vmem>>, vector<1x16xf32>,
        %get3A_496 = vector.shape_cast %get3A_495 : vector<1x16xf32> to vector<16xf32>
        %max3A_497 = arith.maximumf %scan3A_468, %get3A_496 : vector<16xf32>
        %get3A_498 = arith.index_cast %add3A_478 : i32 to index
        %get3A_499 = arith.constant 0 : index
        %get3A_500 = tpu.vector_load %arg8[%get3A_498, %get3A_499] {strides = array<i32>} : memref<200x64xf32, #tpu.memory_space<vmem>>, vector<1x16xf32>,
        %get3A_501 = vector.shape_cast %get3A_500 : vector<1x16xf32> to vector<16xf32>
        %max3A_502 = arith.maximumf %scan3A_469, %get3A_501 : vector<16xf32>
        %get3A_503 = arith.index_cast %add3A_478 : i32 to index
        %get3A_504 = arith.constant 16 : index
        %get3A_505 = tpu.vector_load %arg8[%get3A_503, %get3A_504] {strides = array<i32>} : memref<200x64xf32, #tpu.memory_space<vmem>>, vector<1x16xf32>,
        %get3A_506 = vector.shape_cast %get3A_505 : vector<1x16xf32> to vector<16xf32>
        %max3A_507 = arith.maximumf %scan3A_470, %get3A_506 : vector<16xf32>
        %get3A_508 = arith.index_cast %add3A_478 : i32 to index
        %get3A_509 = arith.constant 32 : index
        %get3A_510 = tpu.vector_load %arg8[%get3A_508, %get3A_509] {strides = array<i32>} : memref<200x64xf32, #tpu.memory_space<vmem>>, vector<1x16xf32>,
        %get3A_511 = vector.shape_cast %get3A_510 : vector<1x16xf32> to vector<16xf32>
        %max3A_512 = arith.maximumf %scan3A_471, %get3A_511 : vector<16xf32>
        %get3A_513 = arith.index_cast %add3A_478 : i32 to index
        %get3A_514 = arith.constant 48 : index
        %get3A_515 = tpu.vector_load %arg8[%get3A_513, %get3A_514] {strides = array<i32>} : memref<200x64xf32, #tpu.memory_space<vmem>>, vector<1x16xf32>,
        %get3A_516 = vector.shape_cast %get3A_515 : vector<1x16xf32> to vector<16xf32>
        %max3A_517 = arith.maximumf %scan3A_472, %get3A_516 : vector<16xf32>
        %scan3A_518 = arith.constant 1 : i32
        %scan3A_519 = arith.addi %scan3A_464, %scan3A_518 : i32
        %mul3A_520 = arith.constant 2 : i32
        %mul3A_521 = arith.muli %mul3A_520, %scan3A_519 : i32
        %mul3A_522 = arith.constant 2 : i32
        %mul3A_523 = arith.muli %mul3A_522, %scan3A_519 : i32
        %add3A_524 = arith.constant 1 : i32
        %add3A_525 = arith.addi %mul3A_523, %add3A_524 : i32
        %get3A_526 = arith.index_cast %mul3A_521 : i32 to index
        %get3A_527 = arith.constant 0 : index
        %get3A_528 = tpu.vector_load %arg8[%get3A_526, %get3A_527] {strides = array<i32>} : memref<200x64xf32, #tpu.memory_space<vmem>>, vector<1x16xf32>,
        %get3A_529 = vector.shape_cast %get3A_528 : vector<1x16xf32> to vector<16xf32>
        %max3A_530 = arith.maximumf %max3A_482, %get3A_529 : vector<16xf32>
        %get3A_531 = arith.index_cast %mul3A_521 : i32 to index
        %get3A_532 = arith.constant 16 : index
        %get3A_533 = tpu.vector_load %arg8[%get3A_531, %get3A_532] {strides = array<i32>} : memref<200x64xf32, #tpu.memory_space<vmem>>, vector<1x16xf32>,
        %get3A_534 = vector.shape_cast %get3A_533 : vector<1x16xf32> to vector<16xf32>
        %max3A_535 = arith.maximumf %max3A_487, %get3A_534 : vector<16xf32>
        %get3A_536 = arith.index_cast %mul3A_521 : i32 to index
        %get3A_537 = arith.constant 32 : index
        %get3A_538 = tpu.vector_load %arg8[%get3A_536, %get3A_537] {strides = array<i32>} : memref<200x64xf32, #tpu.memory_space<vmem>>, vector<1x16xf32>,
        %get3A_539 = vector.shape_cast %get3A_538 : vector<1x16xf32> to vector<16xf32>
        %max3A_540 = arith.maximumf %max3A_492, %get3A_539 : vector<16xf32>
        %get3A_541 = arith.index_cast %mul3A_521 : i32 to index
        %get3A_542 = arith.constant 48 : index
        %get3A_543 = tpu.vector_load %arg8[%get3A_541, %get3A_542] {strides = array<i32>} : memref<200x64xf32, #tpu.memory_space<vmem>>, vector<1x16xf32>,
        %get3A_544 = vector.shape_cast %get3A_543 : vector<1x16xf32> to vector<16xf32>
        %max3A_545 = arith.maximumf %max3A_497, %get3A_544 : vector<16xf32>
        %get3A_546 = arith.index_cast %add3A_525 : i32 to index
        %get3A_547 = arith.constant 0 : index
        %get3A_548 = tpu.vector_load %arg8[%get3A_546, %get3A_547] {strides = array<i32>} : memref<200x64xf32, #tpu.memory_space<vmem>>, vector<1x16xf32>,
        %get3A_549 = vector.shape_cast %get3A_548 : vector<1x16xf32> to vector<16xf32>
        %max3A_550 = arith.maximumf %max3A_502, %get3A_549 : vector<16xf32>
        %get3A_551 = arith.index_cast %add3A_525 : i32 to index
        %get3A_552 = arith.constant 16 : index
        %get3A_553 = tpu.vector_load %arg8[%get3A_551, %get3A_552] {strides = array<i32>} : memref<200x64xf32, #tpu.memory_space<vmem>>, vector<1x16xf32>,
        %get3A_554 = vector.shape_cast %get3A_553 : vector<1x16xf32> to vector<16xf32>
        %max3A_555 = arith.maximumf %max3A_507, %get3A_554 : vector<16xf32>
        %get3A_556 = arith.index_cast %add3A_525 : i32 to index
        %get3A_557 = arith.constant 32 : index
        %get3A_558 = tpu.vector_load %arg8[%get3A_556, %get3A_557] {strides = array<i32>} : memref<200x64xf32, #tpu.memory_space<vmem>>, vector<1x16xf32>,
        %get3A_559 = vector.shape_cast %get3A_558 : vector<1x16xf32> to vector<16xf32>
        %max3A_560 = arith.maximumf %max3A_512, %get3A_559 : vector<16xf32>
        %get3A_561 = arith.index_cast %add3A_525 : i32 to index
        %get3A_562 = arith.constant 48 : index
        %get3A_563 = tpu.vector_load %arg8[%get3A_561, %get3A_562] {strides = array<i32>} : memref<200x64xf32, #tpu.memory_space<vmem>>, vector<1x16xf32>,
        %get3A_564 = vector.shape_cast %get3A_563 : vector<1x16xf32> to vector<16xf32>
        %max3A_565 = arith.maximumf %max3A_517, %get3A_564 : vector<16xf32>
        %scan3A_566 = arith.constant 2 : i32
        %scan3A_567 = arith.addi %scan3A_464, %scan3A_566 : i32
        %mul3A_568 = arith.constant 2 : i32
        %mul3A_569 = arith.muli %mul3A_568, %scan3A_567 : i32
        %mul3A_570 = arith.constant 2 : i32
        %mul3A_571 = arith.muli %mul3A_570, %scan3A_567 : i32
        %add3A_572 = arith.constant 1 : i32
        %add3A_573 = arith.addi %mul3A_571, %add3A_572 : i32
        %get3A_574 = arith.index_cast %mul3A_569 : i32 to index
        %get3A_575 = arith.constant 0 : index
        %get3A_576 = tpu.vector_load %arg8[%get3A_574, %get3A_575] {strides = array<i32>} : memref<200x64xf32, #tpu.memory_space<vmem>>, vector<1x16xf32>,
        %get3A_577 = vector.shape_cast %get3A_576 : vector<1x16xf32> to vector<16xf32>
        %max3A_578 = arith.maximumf %max3A_530, %get3A_577 : vector<16xf32>
        %get3A_579 = arith.index_cast %mul3A_569 : i32 to index
        %get3A_580 = arith.constant 16 : index
        %get3A_581 = tpu.vector_load %arg8[%get3A_579, %get3A_580] {strides = array<i32>} : memref<200x64xf32, #tpu.memory_space<vmem>>, vector<1x16xf32>,
        %get3A_582 = vector.shape_cast %get3A_581 : vector<1x16xf32> to vector<16xf32>
        %max3A_583 = arith.maximumf %max3A_535, %get3A_582 : vector<16xf32>
        %get3A_584 = arith.index_cast %mul3A_569 : i32 to index
        %get3A_585 = arith.constant 32 : index
        %get3A_586 = tpu.vector_load %arg8[%get3A_584, %get3A_585] {strides = array<i32>} : memref<200x64xf32, #tpu.memory_space<vmem>>, vector<1x16xf32>,
        %get3A_587 = vector.shape_cast %get3A_586 : vector<1x16xf32> to vector<16xf32>
        %max3A_588 = arith.maximumf %max3A_540, %get3A_587 : vector<16xf32>
        %get3A_589 = arith.index_cast %mul3A_569 : i32 to index
        %get3A_590 = arith.constant 48 : index
        %get3A_591 = tpu.vector_load %arg8[%get3A_589, %get3A_590] {strides = array<i32>} : memref<200x64xf32, #tpu.memory_space<vmem>>, vector<1x16xf32>,
        %get3A_592 = vector.shape_cast %get3A_591 : vector<1x16xf32> to vector<16xf32>
        %max3A_593 = arith.maximumf %max3A_545, %get3A_592 : vector<16xf32>
        %get3A_594 = arith.index_cast %add3A_573 : i32 to index
        %get3A_595 = arith.constant 0 : index
        %get3A_596 = tpu.vector_load %arg8[%get3A_594, %get3A_595] {strides = array<i32>} : memref<200x64xf32, #tpu.memory_space<vmem>>, vector<1x16xf32>,
        %get3A_597 = vector.shape_cast %get3A_596 : vector<1x16xf32> to vector<16xf32>
        %max3A_598 = arith.maximumf %max3A_550, %get3A_597 : vector<16xf32>
        %get3A_599 = arith.index_cast %add3A_573 : i32 to index
        %get3A_600 = arith.constant 16 : index
        %get3A_601 = tpu.vector_load %arg8[%get3A_599, %get3A_600] {strides = array<i32>} : memref<200x64xf32, #tpu.memory_space<vmem>>, vector<1x16xf32>,
        %get3A_602 = vector.shape_cast %get3A_601 : vector<1x16xf32> to vector<16xf32>
        %max3A_603 = arith.maximumf %max3A_555, %get3A_602 : vector<16xf32>
        %get3A_604 = arith.index_cast %add3A_573 : i32 to index
        %get3A_605 = arith.constant 32 : index
        %get3A_606 = tpu.vector_load %arg8[%get3A_604, %get3A_605] {strides = array<i32>} : memref<200x64xf32, #tpu.memory_space<vmem>>, vector<1x16xf32>,
        %get3A_607 = vector.shape_cast %get3A_606 : vector<1x16xf32> to vector<16xf32>
        %max3A_608 = arith.maximumf %max3A_560, %get3A_607 : vector<16xf32>
        %get3A_609 = arith.index_cast %add3A_573 : i32 to index
        %get3A_610 = arith.constant 48 : index
        %get3A_611 = tpu.vector_load %arg8[%get3A_609, %get3A_610] {strides = array<i32>} : memref<200x64xf32, #tpu.memory_space<vmem>>, vector<1x16xf32>,
        %get3A_612 = vector.shape_cast %get3A_611 : vector<1x16xf32> to vector<16xf32>
        %max3A_613 = arith.maximumf %max3A_565, %get3A_612 : vector<16xf32>
        %scan3A_614 = arith.constant 3 : i32
        %scan3A_615 = arith.addi %scan3A_464, %scan3A_614 : i32
        %mul3A_616 = arith.constant 2 : i32
        %mul3A_617 = arith.muli %mul3A_616, %scan3A_615 : i32
        %mul3A_618 = arith.constant 2 : i32
        %mul3A_619 = arith.muli %mul3A_618, %scan3A_615 : i32
        %add3A_620 = arith.constant 1 : i32
        %add3A_621 = arith.addi %mul3A_619, %add3A_620 : i32
        %get3A_622 = arith.index_cast %mul3A_617 : i32 to index
        %get3A_623 = arith.constant 0 : index
        %get3A_624 = tpu.vector_load %arg8[%get3A_622, %get3A_623] {strides = array<i32>} : memref<200x64xf32, #tpu.memory_space<vmem>>, vector<1x16xf32>,
        %get3A_625 = vector.shape_cast %get3A_624 : vector<1x16xf32> to vector<16xf32>
        %max3A_626 = arith.maximumf %max3A_578, %get3A_625 : vector<16xf32>
        %get3A_627 = arith.index_cast %mul3A_617 : i32 to index
        %get3A_628 = arith.constant 16 : index
        %get3A_629 = tpu.vector_load %arg8[%get3A_627, %get3A_628] {strides = array<i32>} : memref<200x64xf32, #tpu.memory_space<vmem>>, vector<1x16xf32>,
        %get3A_630 = vector.shape_cast %get3A_629 : vector<1x16xf32> to vector<16xf32>
        %max3A_631 = arith.maximumf %max3A_583, %get3A_630 : vector<16xf32>
        %get3A_632 = arith.index_cast %mul3A_617 : i32 to index
        %get3A_633 = arith.constant 32 : index
        %get3A_634 = tpu.vector_load %arg8[%get3A_632, %get3A_633] {strides = array<i32>} : memref<200x64xf32, #tpu.memory_space<vmem>>, vector<1x16xf32>,
        %get3A_635 = vector.shape_cast %get3A_634 : vector<1x16xf32> to vector<16xf32>
        %max3A_636 = arith.maximumf %max3A_588, %get3A_635 : vector<16xf32>
        %get3A_637 = arith.index_cast %mul3A_617 : i32 to index
        %get3A_638 = arith.constant 48 : index
        %get3A_639 = tpu.vector_load %arg8[%get3A_637, %get3A_638] {strides = array<i32>} : memref<200x64xf32, #tpu.memory_space<vmem>>, vector<1x16xf32>,
        %get3A_640 = vector.shape_cast %get3A_639 : vector<1x16xf32> to vector<16xf32>
        %max3A_641 = arith.maximumf %max3A_593, %get3A_640 : vector<16xf32>
        %get3A_642 = arith.index_cast %add3A_621 : i32 to index
        %get3A_643 = arith.constant 0 : index
        %get3A_644 = tpu.vector_load %arg8[%get3A_642, %get3A_643] {strides = array<i32>} : memref<200x64xf32, #tpu.memory_space<vmem>>, vector<1x16xf32>,
        %get3A_645 = vector.shape_cast %get3A_644 : vector<1x16xf32> to vector<16xf32>
        %max3A_646 = arith.maximumf %max3A_598, %get3A_645 : vector<16xf32>
        %get3A_647 = arith.index_cast %add3A_621 : i32 to index
        %get3A_648 = arith.constant 16 : index
        %get3A_649 = tpu.vector_load %arg8[%get3A_647, %get3A_648] {strides = array<i32>} : memref<200x64xf32, #tpu.memory_space<vmem>>, vector<1x16xf32>,
        %get3A_650 = vector.shape_cast %get3A_649 : vector<1x16xf32> to vector<16xf32>
        %max3A_651 = arith.maximumf %max3A_603, %get3A_650 : vector<16xf32>
        %get3A_652 = arith.index_cast %add3A_621 : i32 to index
        %get3A_653 = arith.constant 32 : index
        %get3A_654 = tpu.vector_load %arg8[%get3A_652, %get3A_653] {strides = array<i32>} : memref<200x64xf32, #tpu.memory_space<vmem>>, vector<1x16xf32>,
        %get3A_655 = vector.shape_cast %get3A_654 : vector<1x16xf32> to vector<16xf32>
        %max3A_656 = arith.maximumf %max3A_608, %get3A_655 : vector<16xf32>
        %get3A_657 = arith.index_cast %add3A_621 : i32 to index
        %get3A_658 = arith.constant 48 : index
        %get3A_659 = tpu.vector_load %arg8[%get3A_657, %get3A_658] {strides = array<i32>} : memref<200x64xf32, #tpu.memory_space<vmem>>, vector<1x16xf32>,
        %get3A_660 = vector.shape_cast %get3A_659 : vector<1x16xf32> to vector<16xf32>
        %max3A_661 = arith.maximumf %max3A_613, %get3A_660 : vector<16xf32>
        scf.yield %max3A_626, %max3A_631, %max3A_636, %max3A_641, %max3A_646, %max3A_651, %max3A_656, %max3A_661 : vector<16xf32>, vector<16xf32>, vector<16xf32>, vector<16xf32>, vector<16xf32>, vector<16xf32>, vector<16xf32>, vector<16xf32>
      }
      %scan3A_277 = arith.constant 100 : i32
      %max3A_278 = arith.maximumf %scan3A_276#0, %scan3A_276#4 : vector<16xf32>
      %mul3A_279 = arith.constant 2.000000e+00 : f32
      %mul3A_280 = vector.broadcast %mul3A_279 : f32 to vector<16xf32>
      %mul3A_281 = arith.mulf %mul3A_280, %max3A_278 : vector<16xf32>
      %exp3A_282 = math.exp %mul3A_281 : vector<16xf32>
      %add3A_283 = arith.constant 1.000000e+00 : f32
      %add3A_284 = vector.broadcast %add3A_283 : f32 to vector<16xf32>
      %add3A_285 = arith.addf %exp3A_282, %add3A_284 : vector<16xf32>
      %div3A_286 = arith.constant 2.000000e+00 : f32
      %div3A_287 = vector.broadcast %div3A_286 : f32 to vector<16xf32>
      %div3A_288 = arith.divf %div3A_287, %add3A_285 : vector<16xf32>
      %sub3A_289 = arith.constant 1.000000e+00 : f32
      %sub3A_290 = vector.broadcast %sub3A_289 : f32 to vector<16xf32>
      %sub3A_291 = arith.subf %sub3A_290, %div3A_288 : vector<16xf32>
      %swap3A_292 = arith.index_cast %add3A_265 : i32 to index
      %swap3A_293 = arith.constant 0 : index
      %swap3A_294 = tpu.vector_load %arg10[%swap3A_292, %swap3A_293] {strides = array<i32>} : memref<128x64xf32, #tpu.memory_space<vmem>>, vector<1x16xf32>,
      %swap3A_295 = vector.shape_cast %swap3A_294 : vector<1x16xf32> to vector<16xf32>
      %swap3A_296 = vector.shape_cast %sub3A_291 : vector<16xf32> to vector<1x16xf32>
      tpu.vector_store %arg10[%swap3A_292, %swap3A_293], %swap3A_296 {strides = array<i32>} : memref<128x64xf32, #tpu.memory_space<vmem>>, vector<1x16xf32>,
      %max3A_297 = arith.maximumf %scan3A_276#1, %scan3A_276#5 : vector<16xf32>
      %mul3A_298 = arith.constant 2.000000e+00 : f32
      %mul3A_299 = vector.broadcast %mul3A_298 : f32 to vector<16xf32>
      %mul3A_300 = arith.mulf %mul3A_299, %max3A_297 : vector<16xf32>
      %exp3A_301 = math.exp %mul3A_300 : vector<16xf32>
      %add3A_302 = arith.constant 1.000000e+00 : f32
      %add3A_303 = vector.broadcast %add3A_302 : f32 to vector<16xf32>
      %add3A_304 = arith.addf %exp3A_301, %add3A_303 : vector<16xf32>
      %div3A_305 = arith.constant 2.000000e+00 : f32
      %div3A_306 = vector.broadcast %div3A_305 : f32 to vector<16xf32>
      %div3A_307 = arith.divf %div3A_306, %add3A_304 : vector<16xf32>
      %sub3A_308 = arith.constant 1.000000e+00 : f32
      %sub3A_309 = vector.broadcast %sub3A_308 : f32 to vector<16xf32>
      %sub3A_310 = arith.subf %sub3A_309, %div3A_307 : vector<16xf32>
      %swap3A_311 = arith.index_cast %add3A_265 : i32 to index
      %swap3A_312 = arith.constant 16 : index
      %swap3A_313 = tpu.vector_load %arg10[%swap3A_311, %swap3A_312] {strides = array<i32>} : memref<128x64xf32, #tpu.memory_space<vmem>>, vector<1x16xf32>,
      %swap3A_314 = vector.shape_cast %swap3A_313 : vector<1x16xf32> to vector<16xf32>
      %swap3A_315 = vector.shape_cast %sub3A_310 : vector<16xf32> to vector<1x16xf32>
      tpu.vector_store %arg10[%swap3A_311, %swap3A_312], %swap3A_315 {strides = array<i32>} : memref<128x64xf32, #tpu.memory_space<vmem>>, vector<1x16xf32>,
      %max3A_316 = arith.maximumf %scan3A_276#2, %scan3A_276#6 : vector<16xf32>
      %mul3A_317 = arith.constant 2.000000e+00 : f32
      %mul3A_318 = vector.broadcast %mul3A_317 : f32 to vector<16xf32>
      %mul3A_319 = arith.mulf %mul3A_318, %max3A_316 : vector<16xf32>
      %exp3A_320 = math.exp %mul3A_319 : vector<16xf32>
      %add3A_321 = arith.constant 1.000000e+00 : f32
      %add3A_322 = vector.broadcast %add3A_321 : f32 to vector<16xf32>
      %add3A_323 = arith.addf %exp3A_320, %add3A_322 : vector<16xf32>
      %div3A_324 = arith.constant 2.000000e+00 : f32
      %div3A_325 = vector.broadcast %div3A_324 : f32 to vector<16xf32>
      %div3A_326 = arith.divf %div3A_325, %add3A_323 : vector<16xf32>
      %sub3A_327 = arith.constant 1.000000e+00 : f32
      %sub3A_328 = vector.broadcast %sub3A_327 : f32 to vector<16xf32>
      %sub3A_329 = arith.subf %sub3A_328, %div3A_326 : vector<16xf32>
      %swap3A_330 = arith.index_cast %add3A_265 : i32 to index
      %swap3A_331 = arith.constant 32 : index
      %swap3A_332 = tpu.vector_load %arg10[%swap3A_330, %swap3A_331] {strides = array<i32>} : memref<128x64xf32, #tpu.memory_space<vmem>>, vector<1x16xf32>,
      %swap3A_333 = vector.shape_cast %swap3A_332 : vector<1x16xf32> to vector<16xf32>
      %swap3A_334 = vector.shape_cast %sub3A_329 : vector<16xf32> to vector<1x16xf32>
      tpu.vector_store %arg10[%swap3A_330, %swap3A_331], %swap3A_334 {strides = array<i32>} : memref<128x64xf32, #tpu.memory_space<vmem>>, vector<1x16xf32>,
      %max3A_335 = arith.maximumf %scan3A_276#3, %scan3A_276#7 : vector<16xf32>
      %mul3A_336 = arith.constant 2.000000e+00 : f32
      %mul3A_337 = vector.broadcast %mul3A_336 : f32 to vector<16xf32>
      %mul3A_338 = arith.mulf %mul3A_337, %max3A_335 : vector<16xf32>
      %exp3A_339 = math.exp %mul3A_338 : vector<16xf32>
      %add3A_340 = arith.constant 1.000000e+00 : f32
      %add3A_341 = vector.broadcast %add3A_340 : f32 to vector<16xf32>
      %add3A_342 = arith.addf %exp3A_339, %add3A_341 : vector<16xf32>
      %div3A_343 = arith.constant 2.000000e+00 : f32
      %div3A_344 = vector.broadcast %div3A_343 : f32 to vector<16xf32>
      %div3A_345 = arith.divf %div3A_344, %add3A_342 : vector<16xf32>
      %sub3A_346 = arith.constant 1.000000e+00 : f32
      %sub3A_347 = vector.broadcast %sub3A_346 : f32 to vector<16xf32>
      %sub3A_348 = arith.subf %sub3A_347, %div3A_345 : vector<16xf32>
      %swap3A_349 = arith.index_cast %add3A_265 : i32 to index
      %swap3A_350 = arith.constant 48 : index
      %swap3A_351 = tpu.vector_load %arg10[%swap3A_349, %swap3A_350] {strides = array<i32>} : memref<128x64xf32, #tpu.memory_space<vmem>>, vector<1x16xf32>,
      %swap3A_352 = vector.shape_cast %swap3A_351 : vector<1x16xf32> to vector<16xf32>
      %swap3A_353 = vector.shape_cast %sub3A_348 : vector<16xf32> to vector<1x16xf32>
      tpu.vector_store %arg10[%swap3A_349, %swap3A_350], %swap3A_353 {strides = array<i32>} : memref<128x64xf32, #tpu.memory_space<vmem>>, vector<1x16xf32>,
      %add3A_354 = arith.constant 4 : i32
      %add3A_355 = arith.addi %add3A_265, %add3A_354 : i32
      %sub3A_356 = arith.constant 1 : i32
      %sub3A_357 = arith.subi %add3A_355, %sub3A_356 : i32
      %lt3A_358 = arith.constant 128 : i32
      %lt3A_359 = arith.cmpi slt, %sub3A_357, %lt3A_358 : i32
      %convert_element_type3A_360 = arith.extui %lt3A_359 : i1 to i32
      %cond3A_361 = arith.constant 0 : i32
      %cond3A_362 = arith.cmpi ne, %convert_element_type3A_360, %cond3A_361 : i32
      scf.if %cond3A_362 {
        %add3A_464 = arith.constant 4 : i32
        %add3A_465 = arith.addi %add3A_265, %add3A_464 : i32
        %sub3A_466 = arith.constant 1 : i32
        %sub3A_467 = arith.subi %add3A_465, %sub3A_466 : i32
        %dma_start3A_468 = arith.constant 0 : i32
        %dma_start3A_469 = arith.constant 0 : i32
        %dma_start3A_470 = tpu.memref_slice %arg7[%dma_start3A_468, %dma_start3A_469] : memref<200x64xf32, #tpu.memory_space<vmem>> -> memref<128x64xf32, #tpu.memory_space<vmem>>
        %dma_start3A_471 = arith.constant 0 : i32
        %dma_start3A_472 = tpu.memref_slice %arg5[%sub3A_467, %dma_start3A_471] : memref<128x200xi32, #tpu.memory_space<vmem>> -> memref<1x128xi32, #tpu.memory_space<vmem>>
        %dma_start3A_473 = tpu.memref_squeeze %dma_start3A_472 : memref<1x128xi32, #tpu.memory_space<vmem>> -> memref<128xi32, #tpu.memory_space<vmem>>
        %dma_start3A_474 = arith.constant 0 : i32
        %dma_start3A_475 = arith.constant 0 : i32
        %dma_start3A_476 = tpu.memref_slice %arg3[%dma_start3A_474, %dma_start3A_475] : memref<1000000x64xf32, #tpu.memory_space<hbm>> -> memref<1000000x64xf32, #tpu.memory_space<hbm>>
        tpu.enqueue_indirect_dma source(%dma_start3A_476 : memref<1000000x64xf32, #tpu.memory_space<hbm>>) target(%dma_start3A_470 : memref<128x64xf32, #tpu.memory_space<vmem>>) offsets(%dma_start3A_473 : memref<128xi32, #tpu.memory_space<vmem>>) semaphore(%arg12 : memref<!tpu.dma_semaphore, #tpu.memory_space<semaphore_mem>>)
        %dma_start3A_477 = arith.constant 128 : i32
        %dma_start3A_478 = arith.constant 0 : i32
        %dma_start3A_479 = tpu.memref_slice %arg7[%dma_start3A_477, %dma_start3A_478] : memref<200x64xf32, #tpu.memory_space<vmem>> -> memref<72x64xf32, #tpu.memory_space<vmem>>
        %dma_start3A_480 = arith.constant 128 : i32
        %dma_start3A_481 = tpu.memref_slice %arg5[%sub3A_467, %dma_start3A_480] : memref<128x200xi32, #tpu.memory_space<vmem>> -> memref<1x72xi32, #tpu.memory_space<vmem>>
        %dma_start3A_482 = tpu.memref_squeeze %dma_start3A_481 : memref<1x72xi32, #tpu.memory_space<vmem>> -> memref<72xi32, #tpu.memory_space<vmem>>
        %dma_start3A_483 = arith.constant 0 : i32
        %dma_start3A_484 = arith.constant 0 : i32
        %dma_start3A_485 = tpu.memref_slice %arg3[%dma_start3A_483, %dma_start3A_484] : memref<1000000x64xf32, #tpu.memory_space<hbm>> -> memref<1000000x64xf32, #tpu.memory_space<hbm>>
        tpu.enqueue_indirect_dma source(%dma_start3A_485 : memref<1000000x64xf32, #tpu.memory_space<hbm>>) target(%dma_start3A_479 : memref<72x64xf32, #tpu.memory_space<vmem>>) offsets(%dma_start3A_482 : memref<72xi32, #tpu.memory_space<vmem>>) semaphore(%arg12 : memref<!tpu.dma_semaphore, #tpu.memory_space<semaphore_mem>>)
      } else {
      }
      %mul3A_363 = arith.constant 4 : i32
      %mul3A_364 = arith.muli %mul3A_363, %scan3A_68 : i32
      %add3A_365 = arith.constant 3 : i32
      %add3A_366 = arith.addi %mul3A_364, %add3A_365 : i32
      %dma_wait3A_367 = arith.constant 0 : i32
      %dma_wait3A_368 = arith.constant 0 : i32
      %dma_wait3A_369 = tpu.memref_slice %arg3[%dma_wait3A_367, %dma_wait3A_368] : memref<1000000x64xf32, #tpu.memory_space<hbm>> -> memref<200x64xf32, #tpu.memory_space<hbm>>
      %dma_wait3A_370 = arith.constant 0 : i32
      %dma_wait3A_371 = arith.constant 0 : i32
      %dma_wait3A_372 = tpu.memref_slice %arg3[%dma_wait3A_370, %dma_wait3A_371] : memref<1000000x64xf32, #tpu.memory_space<hbm>> -> memref<200x64xf32, #tpu.memory_space<hbm>>
      tpu.wait_dma2 semaphore(%arg14 : memref<!tpu.dma_semaphore, #tpu.memory_space<semaphore_mem>>) src(%dma_wait3A_372 : memref<200x64xf32, #tpu.memory_space<hbm>>) dst(%arg9 : memref<200x64xf32, #tpu.memory_space<vmem>>)
      %scan3A_373 = arith.constant 0 : i32
      %scan3A_374 = arith.constant 100 : i32
      %scan3A_375 = arith.addi %scan3A_373, %scan3A_374 : i32
      %scan3A_376 = arith.constant 4 : i32
      %scan3A_377:8 = scf.for %scan3A_464 = %scan3A_373 to %scan3A_375 step %scan3A_376 iter_args(%scan3A_465 = %broadcast_in_dim3A_3, %scan3A_466 = %broadcast_in_dim3A_3, %scan3A_467 = %broadcast_in_dim3A_3, %scan3A_468 = %broadcast_in_dim3A_3, %scan3A_469 = %broadcast_in_dim3A_3, %scan3A_470 = %broadcast_in_dim3A_3, %scan3A_471 = %broadcast_in_dim3A_3, %scan3A_472 = %broadcast_in_dim3A_3) -> (vector<16xf32>, vector<16xf32>, vector<16xf32>, vector<16xf32>, vector<16xf32>, vector<16xf32>, vector<16xf32>, vector<16xf32>)  : i32 {
        %mul3A_473 = arith.constant 2 : i32
        %mul3A_474 = arith.muli %mul3A_473, %scan3A_464 : i32
        %mul3A_475 = arith.constant 2 : i32
        %mul3A_476 = arith.muli %mul3A_475, %scan3A_464 : i32
        %add3A_477 = arith.constant 1 : i32
        %add3A_478 = arith.addi %mul3A_476, %add3A_477 : i32
        %get3A = arith.index_cast %mul3A_474 : i32 to index
        %get3A_479 = arith.constant 0 : index
        %get3A_480 = tpu.vector_load %arg9[%get3A, %get3A_479] {strides = array<i32>} : memref<200x64xf32, #tpu.memory_space<vmem>>, vector<1x16xf32>,
        %get3A_481 = vector.shape_cast %get3A_480 : vector<1x16xf32> to vector<16xf32>
        %max3A_482 = arith.maximumf %scan3A_465, %get3A_481 : vector<16xf32>
        %get3A_483 = arith.index_cast %mul3A_474 : i32 to index
        %get3A_484 = arith.constant 16 : index
        %get3A_485 = tpu.vector_load %arg9[%get3A_483, %get3A_484] {strides = array<i32>} : memref<200x64xf32, #tpu.memory_space<vmem>>, vector<1x16xf32>,
        %get3A_486 = vector.shape_cast %get3A_485 : vector<1x16xf32> to vector<16xf32>
        %max3A_487 = arith.maximumf %scan3A_466, %get3A_486 : vector<16xf32>
        %get3A_488 = arith.index_cast %mul3A_474 : i32 to index
        %get3A_489 = arith.constant 32 : index
        %get3A_490 = tpu.vector_load %arg9[%get3A_488, %get3A_489] {strides = array<i32>} : memref<200x64xf32, #tpu.memory_space<vmem>>, vector<1x16xf32>,
        %get3A_491 = vector.shape_cast %get3A_490 : vector<1x16xf32> to vector<16xf32>
        %max3A_492 = arith.maximumf %scan3A_467, %get3A_491 : vector<16xf32>
        %get3A_493 = arith.index_cast %mul3A_474 : i32 to index
        %get3A_494 = arith.constant 48 : index
        %get3A_495 = tpu.vector_load %arg9[%get3A_493, %get3A_494] {strides = array<i32>} : memref<200x64xf32, #tpu.memory_space<vmem>>, vector<1x16xf32>,
        %get3A_496 = vector.shape_cast %get3A_495 : vector<1x16xf32> to vector<16xf32>
        %max3A_497 = arith.maximumf %scan3A_468, %get3A_496 : vector<16xf32>
        %get3A_498 = arith.index_cast %add3A_478 : i32 to index
        %get3A_499 = arith.constant 0 : index
        %get3A_500 = tpu.vector_load %arg9[%get3A_498, %get3A_499] {strides = array<i32>} : memref<200x64xf32, #tpu.memory_space<vmem>>, vector<1x16xf32>,
        %get3A_501 = vector.shape_cast %get3A_500 : vector<1x16xf32> to vector<16xf32>
        %max3A_502 = arith.maximumf %scan3A_469, %get3A_501 : vector<16xf32>
        %get3A_503 = arith.index_cast %add3A_478 : i32 to index
        %get3A_504 = arith.constant 16 : index
        %get3A_505 = tpu.vector_load %arg9[%get3A_503, %get3A_504] {strides = array<i32>} : memref<200x64xf32, #tpu.memory_space<vmem>>, vector<1x16xf32>,
        %get3A_506 = vector.shape_cast %get3A_505 : vector<1x16xf32> to vector<16xf32>
        %max3A_507 = arith.maximumf %scan3A_470, %get3A_506 : vector<16xf32>
        %get3A_508 = arith.index_cast %add3A_478 : i32 to index
        %get3A_509 = arith.constant 32 : index
        %get3A_510 = tpu.vector_load %arg9[%get3A_508, %get3A_509] {strides = array<i32>} : memref<200x64xf32, #tpu.memory_space<vmem>>, vector<1x16xf32>,
        %get3A_511 = vector.shape_cast %get3A_510 : vector<1x16xf32> to vector<16xf32>
        %max3A_512 = arith.maximumf %scan3A_471, %get3A_511 : vector<16xf32>
        %get3A_513 = arith.index_cast %add3A_478 : i32 to index
        %get3A_514 = arith.constant 48 : index
        %get3A_515 = tpu.vector_load %arg9[%get3A_513, %get3A_514] {strides = array<i32>} : memref<200x64xf32, #tpu.memory_space<vmem>>, vector<1x16xf32>,
        %get3A_516 = vector.shape_cast %get3A_515 : vector<1x16xf32> to vector<16xf32>
        %max3A_517 = arith.maximumf %scan3A_472, %get3A_516 : vector<16xf32>
        %scan3A_518 = arith.constant 1 : i32
        %scan3A_519 = arith.addi %scan3A_464, %scan3A_518 : i32
        %mul3A_520 = arith.constant 2 : i32
        %mul3A_521 = arith.muli %mul3A_520, %scan3A_519 : i32
        %mul3A_522 = arith.constant 2 : i32
        %mul3A_523 = arith.muli %mul3A_522, %scan3A_519 : i32
        %add3A_524 = arith.constant 1 : i32
        %add3A_525 = arith.addi %mul3A_523, %add3A_524 : i32
        %get3A_526 = arith.index_cast %mul3A_521 : i32 to index
        %get3A_527 = arith.constant 0 : index
        %get3A_528 = tpu.vector_load %arg9[%get3A_526, %get3A_527] {strides = array<i32>} : memref<200x64xf32, #tpu.memory_space<vmem>>, vector<1x16xf32>,
        %get3A_529 = vector.shape_cast %get3A_528 : vector<1x16xf32> to vector<16xf32>
        %max3A_530 = arith.maximumf %max3A_482, %get3A_529 : vector<16xf32>
        %get3A_531 = arith.index_cast %mul3A_521 : i32 to index
        %get3A_532 = arith.constant 16 : index
        %get3A_533 = tpu.vector_load %arg9[%get3A_531, %get3A_532] {strides = array<i32>} : memref<200x64xf32, #tpu.memory_space<vmem>>, vector<1x16xf32>,
        %get3A_534 = vector.shape_cast %get3A_533 : vector<1x16xf32> to vector<16xf32>
        %max3A_535 = arith.maximumf %max3A_487, %get3A_534 : vector<16xf32>
        %get3A_536 = arith.index_cast %mul3A_521 : i32 to index
        %get3A_537 = arith.constant 32 : index
        %get3A_538 = tpu.vector_load %arg9[%get3A_536, %get3A_537] {strides = array<i32>} : memref<200x64xf32, #tpu.memory_space<vmem>>, vector<1x16xf32>,
        %get3A_539 = vector.shape_cast %get3A_538 : vector<1x16xf32> to vector<16xf32>
        %max3A_540 = arith.maximumf %max3A_492, %get3A_539 : vector<16xf32>
        %get3A_541 = arith.index_cast %mul3A_521 : i32 to index
        %get3A_542 = arith.constant 48 : index
        %get3A_543 = tpu.vector_load %arg9[%get3A_541, %get3A_542] {strides = array<i32>} : memref<200x64xf32, #tpu.memory_space<vmem>>, vector<1x16xf32>,
        %get3A_544 = vector.shape_cast %get3A_543 : vector<1x16xf32> to vector<16xf32>
        %max3A_545 = arith.maximumf %max3A_497, %get3A_544 : vector<16xf32>
        %get3A_546 = arith.index_cast %add3A_525 : i32 to index
        %get3A_547 = arith.constant 0 : index
        %get3A_548 = tpu.vector_load %arg9[%get3A_546, %get3A_547] {strides = array<i32>} : memref<200x64xf32, #tpu.memory_space<vmem>>, vector<1x16xf32>,
        %get3A_549 = vector.shape_cast %get3A_548 : vector<1x16xf32> to vector<16xf32>
        %max3A_550 = arith.maximumf %max3A_502, %get3A_549 : vector<16xf32>
        %get3A_551 = arith.index_cast %add3A_525 : i32 to index
        %get3A_552 = arith.constant 16 : index
        %get3A_553 = tpu.vector_load %arg9[%get3A_551, %get3A_552] {strides = array<i32>} : memref<200x64xf32, #tpu.memory_space<vmem>>, vector<1x16xf32>,
        %get3A_554 = vector.shape_cast %get3A_553 : vector<1x16xf32> to vector<16xf32>
        %max3A_555 = arith.maximumf %max3A_507, %get3A_554 : vector<16xf32>
        %get3A_556 = arith.index_cast %add3A_525 : i32 to index
        %get3A_557 = arith.constant 32 : index
        %get3A_558 = tpu.vector_load %arg9[%get3A_556, %get3A_557] {strides = array<i32>} : memref<200x64xf32, #tpu.memory_space<vmem>>, vector<1x16xf32>,
        %get3A_559 = vector.shape_cast %get3A_558 : vector<1x16xf32> to vector<16xf32>
        %max3A_560 = arith.maximumf %max3A_512, %get3A_559 : vector<16xf32>
        %get3A_561 = arith.index_cast %add3A_525 : i32 to index
        %get3A_562 = arith.constant 48 : index
        %get3A_563 = tpu.vector_load %arg9[%get3A_561, %get3A_562] {strides = array<i32>} : memref<200x64xf32, #tpu.memory_space<vmem>>, vector<1x16xf32>,
        %get3A_564 = vector.shape_cast %get3A_563 : vector<1x16xf32> to vector<16xf32>
        %max3A_565 = arith.maximumf %max3A_517, %get3A_564 : vector<16xf32>
        %scan3A_566 = arith.constant 2 : i32
        %scan3A_567 = arith.addi %scan3A_464, %scan3A_566 : i32
        %mul3A_568 = arith.constant 2 : i32
        %mul3A_569 = arith.muli %mul3A_568, %scan3A_567 : i32
        %mul3A_570 = arith.constant 2 : i32
        %mul3A_571 = arith.muli %mul3A_570, %scan3A_567 : i32
        %add3A_572 = arith.constant 1 : i32
        %add3A_573 = arith.addi %mul3A_571, %add3A_572 : i32
        %get3A_574 = arith.index_cast %mul3A_569 : i32 to index
        %get3A_575 = arith.constant 0 : index
        %get3A_576 = tpu.vector_load %arg9[%get3A_574, %get3A_575] {strides = array<i32>} : memref<200x64xf32, #tpu.memory_space<vmem>>, vector<1x16xf32>,
        %get3A_577 = vector.shape_cast %get3A_576 : vector<1x16xf32> to vector<16xf32>
        %max3A_578 = arith.maximumf %max3A_530, %get3A_577 : vector<16xf32>
        %get3A_579 = arith.index_cast %mul3A_569 : i32 to index
        %get3A_580 = arith.constant 16 : index
        %get3A_581 = tpu.vector_load %arg9[%get3A_579, %get3A_580] {strides = array<i32>} : memref<200x64xf32, #tpu.memory_space<vmem>>, vector<1x16xf32>,
        %get3A_582 = vector.shape_cast %get3A_581 : vector<1x16xf32> to vector<16xf32>
        %max3A_583 = arith.maximumf %max3A_535, %get3A_582 : vector<16xf32>
        %get3A_584 = arith.index_cast %mul3A_569 : i32 to index
        %get3A_585 = arith.constant 32 : index
        %get3A_586 = tpu.vector_load %arg9[%get3A_584, %get3A_585] {strides = array<i32>} : memref<200x64xf32, #tpu.memory_space<vmem>>, vector<1x16xf32>,
        %get3A_587 = vector.shape_cast %get3A_586 : vector<1x16xf32> to vector<16xf32>
        %max3A_588 = arith.maximumf %max3A_540, %get3A_587 : vector<16xf32>
        %get3A_589 = arith.index_cast %mul3A_569 : i32 to index
        %get3A_590 = arith.constant 48 : index
        %get3A_591 = tpu.vector_load %arg9[%get3A_589, %get3A_590] {strides = array<i32>} : memref<200x64xf32, #tpu.memory_space<vmem>>, vector<1x16xf32>,
        %get3A_592 = vector.shape_cast %get3A_591 : vector<1x16xf32> to vector<16xf32>
        %max3A_593 = arith.maximumf %max3A_545, %get3A_592 : vector<16xf32>
        %get3A_594 = arith.index_cast %add3A_573 : i32 to index
        %get3A_595 = arith.constant 0 : index
        %get3A_596 = tpu.vector_load %arg9[%get3A_594, %get3A_595] {strides = array<i32>} : memref<200x64xf32, #tpu.memory_space<vmem>>, vector<1x16xf32>,
        %get3A_597 = vector.shape_cast %get3A_596 : vector<1x16xf32> to vector<16xf32>
        %max3A_598 = arith.maximumf %max3A_550, %get3A_597 : vector<16xf32>
        %get3A_599 = arith.index_cast %add3A_573 : i32 to index
        %get3A_600 = arith.constant 16 : index
        %get3A_601 = tpu.vector_load %arg9[%get3A_599, %get3A_600] {strides = array<i32>} : memref<200x64xf32, #tpu.memory_space<vmem>>, vector<1x16xf32>,
        %get3A_602 = vector.shape_cast %get3A_601 : vector<1x16xf32> to vector<16xf32>
        %max3A_603 = arith.maximumf %max3A_555, %get3A_602 : vector<16xf32>
        %get3A_604 = arith.index_cast %add3A_573 : i32 to index
        %get3A_605 = arith.constant 32 : index
        %get3A_606 = tpu.vector_load %arg9[%get3A_604, %get3A_605] {strides = array<i32>} : memref<200x64xf32, #tpu.memory_space<vmem>>, vector<1x16xf32>,
        %get3A_607 = vector.shape_cast %get3A_606 : vector<1x16xf32> to vector<16xf32>
        %max3A_608 = arith.maximumf %max3A_560, %get3A_607 : vector<16xf32>
        %get3A_609 = arith.index_cast %add3A_573 : i32 to index
        %get3A_610 = arith.constant 48 : index
        %get3A_611 = tpu.vector_load %arg9[%get3A_609, %get3A_610] {strides = array<i32>} : memref<200x64xf32, #tpu.memory_space<vmem>>, vector<1x16xf32>,
        %get3A_612 = vector.shape_cast %get3A_611 : vector<1x16xf32> to vector<16xf32>
        %max3A_613 = arith.maximumf %max3A_565, %get3A_612 : vector<16xf32>
        %scan3A_614 = arith.constant 3 : i32
        %scan3A_615 = arith.addi %scan3A_464, %scan3A_614 : i32
        %mul3A_616 = arith.constant 2 : i32
        %mul3A_617 = arith.muli %mul3A_616, %scan3A_615 : i32
        %mul3A_618 = arith.constant 2 : i32
        %mul3A_619 = arith.muli %mul3A_618, %scan3A_615 : i32
        %add3A_620 = arith.constant 1 : i32
        %add3A_621 = arith.addi %mul3A_619, %add3A_620 : i32
        %get3A_622 = arith.index_cast %mul3A_617 : i32 to index
        %get3A_623 = arith.constant 0 : index
        %get3A_624 = tpu.vector_load %arg9[%get3A_622, %get3A_623] {strides = array<i32>} : memref<200x64xf32, #tpu.memory_space<vmem>>, vector<1x16xf32>,
        %get3A_625 = vector.shape_cast %get3A_624 : vector<1x16xf32> to vector<16xf32>
        %max3A_626 = arith.maximumf %max3A_578, %get3A_625 : vector<16xf32>
        %get3A_627 = arith.index_cast %mul3A_617 : i32 to index
        %get3A_628 = arith.constant 16 : index
        %get3A_629 = tpu.vector_load %arg9[%get3A_627, %get3A_628] {strides = array<i32>} : memref<200x64xf32, #tpu.memory_space<vmem>>, vector<1x16xf32>,
        %get3A_630 = vector.shape_cast %get3A_629 : vector<1x16xf32> to vector<16xf32>
        %max3A_631 = arith.maximumf %max3A_583, %get3A_630 : vector<16xf32>
        %get3A_632 = arith.index_cast %mul3A_617 : i32 to index
        %get3A_633 = arith.constant 32 : index
        %get3A_634 = tpu.vector_load %arg9[%get3A_632, %get3A_633] {strides = array<i32>} : memref<200x64xf32, #tpu.memory_space<vmem>>, vector<1x16xf32>,
        %get3A_635 = vector.shape_cast %get3A_634 : vector<1x16xf32> to vector<16xf32>
        %max3A_636 = arith.maximumf %max3A_588, %get3A_635 : vector<16xf32>
        %get3A_637 = arith.index_cast %mul3A_617 : i32 to index
        %get3A_638 = arith.constant 48 : index
        %get3A_639 = tpu.vector_load %arg9[%get3A_637, %get3A_638] {strides = array<i32>} : memref<200x64xf32, #tpu.memory_space<vmem>>, vector<1x16xf32>,
        %get3A_640 = vector.shape_cast %get3A_639 : vector<1x16xf32> to vector<16xf32>
        %max3A_641 = arith.maximumf %max3A_593, %get3A_640 : vector<16xf32>
        %get3A_642 = arith.index_cast %add3A_621 : i32 to index
        %get3A_643 = arith.constant 0 : index
        %get3A_644 = tpu.vector_load %arg9[%get3A_642, %get3A_643] {strides = array<i32>} : memref<200x64xf32, #tpu.memory_space<vmem>>, vector<1x16xf32>,
        %get3A_645 = vector.shape_cast %get3A_644 : vector<1x16xf32> to vector<16xf32>
        %max3A_646 = arith.maximumf %max3A_598, %get3A_645 : vector<16xf32>
        %get3A_647 = arith.index_cast %add3A_621 : i32 to index
        %get3A_648 = arith.constant 16 : index
        %get3A_649 = tpu.vector_load %arg9[%get3A_647, %get3A_648] {strides = array<i32>} : memref<200x64xf32, #tpu.memory_space<vmem>>, vector<1x16xf32>,
        %get3A_650 = vector.shape_cast %get3A_649 : vector<1x16xf32> to vector<16xf32>
        %max3A_651 = arith.maximumf %max3A_603, %get3A_650 : vector<16xf32>
        %get3A_652 = arith.index_cast %add3A_621 : i32 to index
        %get3A_653 = arith.constant 32 : index
        %get3A_654 = tpu.vector_load %arg9[%get3A_652, %get3A_653] {strides = array<i32>} : memref<200x64xf32, #tpu.memory_space<vmem>>, vector<1x16xf32>,
        %get3A_655 = vector.shape_cast %get3A_654 : vector<1x16xf32> to vector<16xf32>
        %max3A_656 = arith.maximumf %max3A_608, %get3A_655 : vector<16xf32>
        %get3A_657 = arith.index_cast %add3A_621 : i32 to index
        %get3A_658 = arith.constant 48 : index
        %get3A_659 = tpu.vector_load %arg9[%get3A_657, %get3A_658] {strides = array<i32>} : memref<200x64xf32, #tpu.memory_space<vmem>>, vector<1x16xf32>,
        %get3A_660 = vector.shape_cast %get3A_659 : vector<1x16xf32> to vector<16xf32>
        %max3A_661 = arith.maximumf %max3A_613, %get3A_660 : vector<16xf32>
        scf.yield %max3A_626, %max3A_631, %max3A_636, %max3A_641, %max3A_646, %max3A_651, %max3A_656, %max3A_661 : vector<16xf32>, vector<16xf32>, vector<16xf32>, vector<16xf32>, vector<16xf32>, vector<16xf32>, vector<16xf32>, vector<16xf32>
      }
      %scan3A_378 = arith.constant 100 : i32
      %max3A_379 = arith.maximumf %scan3A_377#0, %scan3A_377#4 : vector<16xf32>
      %mul3A_380 = arith.constant 2.000000e+00 : f32
      %mul3A_381 = vector.broadcast %mul3A_380 : f32 to vector<16xf32>
      %mul3A_382 = arith.mulf %mul3A_381, %max3A_379 : vector<16xf32>
      %exp3A_383 = math.exp %mul3A_382 : vector<16xf32>
      %add3A_384 = arith.constant 1.000000e+00 : f32
      %add3A_385 = vector.broadcast %add3A_384 : f32 to vector<16xf32>
      %add3A_386 = arith.addf %exp3A_383, %add3A_385 : vector<16xf32>
      %div3A_387 = arith.constant 2.000000e+00 : f32
      %div3A_388 = vector.broadcast %div3A_387 : f32 to vector<16xf32>
      %div3A_389 = arith.divf %div3A_388, %add3A_386 : vector<16xf32>
      %sub3A_390 = arith.constant 1.000000e+00 : f32
      %sub3A_391 = vector.broadcast %sub3A_390 : f32 to vector<16xf32>
      %sub3A_392 = arith.subf %sub3A_391, %div3A_389 : vector<16xf32>
      %swap3A_393 = arith.index_cast %add3A_366 : i32 to index
      %swap3A_394 = arith.constant 0 : index
      %swap3A_395 = tpu.vector_load %arg10[%swap3A_393, %swap3A_394] {strides = array<i32>} : memref<128x64xf32, #tpu.memory_space<vmem>>, vector<1x16xf32>,
      %swap3A_396 = vector.shape_cast %swap3A_395 : vector<1x16xf32> to vector<16xf32>
      %swap3A_397 = vector.shape_cast %sub3A_392 : vector<16xf32> to vector<1x16xf32>
      tpu.vector_store %arg10[%swap3A_393, %swap3A_394], %swap3A_397 {strides = array<i32>} : memref<128x64xf32, #tpu.memory_space<vmem>>, vector<1x16xf32>,
      %max3A_398 = arith.maximumf %scan3A_377#1, %scan3A_377#5 : vector<16xf32>
      %mul3A_399 = arith.constant 2.000000e+00 : f32
      %mul3A_400 = vector.broadcast %mul3A_399 : f32 to vector<16xf32>
      %mul3A_401 = arith.mulf %mul3A_400, %max3A_398 : vector<16xf32>
      %exp3A_402 = math.exp %mul3A_401 : vector<16xf32>
      %add3A_403 = arith.constant 1.000000e+00 : f32
      %add3A_404 = vector.broadcast %add3A_403 : f32 to vector<16xf32>
      %add3A_405 = arith.addf %exp3A_402, %add3A_404 : vector<16xf32>
      %div3A_406 = arith.constant 2.000000e+00 : f32
      %div3A_407 = vector.broadcast %div3A_406 : f32 to vector<16xf32>
      %div3A_408 = arith.divf %div3A_407, %add3A_405 : vector<16xf32>
      %sub3A_409 = arith.constant 1.000000e+00 : f32
      %sub3A_410 = vector.broadcast %sub3A_409 : f32 to vector<16xf32>
      %sub3A_411 = arith.subf %sub3A_410, %div3A_408 : vector<16xf32>
      %swap3A_412 = arith.index_cast %add3A_366 : i32 to index
      %swap3A_413 = arith.constant 16 : index
      %swap3A_414 = tpu.vector_load %arg10[%swap3A_412, %swap3A_413] {strides = array<i32>} : memref<128x64xf32, #tpu.memory_space<vmem>>, vector<1x16xf32>,
      %swap3A_415 = vector.shape_cast %swap3A_414 : vector<1x16xf32> to vector<16xf32>
      %swap3A_416 = vector.shape_cast %sub3A_411 : vector<16xf32> to vector<1x16xf32>
      tpu.vector_store %arg10[%swap3A_412, %swap3A_413], %swap3A_416 {strides = array<i32>} : memref<128x64xf32, #tpu.memory_space<vmem>>, vector<1x16xf32>,
      %max3A_417 = arith.maximumf %scan3A_377#2, %scan3A_377#6 : vector<16xf32>
      %mul3A_418 = arith.constant 2.000000e+00 : f32
      %mul3A_419 = vector.broadcast %mul3A_418 : f32 to vector<16xf32>
      %mul3A_420 = arith.mulf %mul3A_419, %max3A_417 : vector<16xf32>
      %exp3A_421 = math.exp %mul3A_420 : vector<16xf32>
      %add3A_422 = arith.constant 1.000000e+00 : f32
      %add3A_423 = vector.broadcast %add3A_422 : f32 to vector<16xf32>
      %add3A_424 = arith.addf %exp3A_421, %add3A_423 : vector<16xf32>
      %div3A_425 = arith.constant 2.000000e+00 : f32
      %div3A_426 = vector.broadcast %div3A_425 : f32 to vector<16xf32>
      %div3A_427 = arith.divf %div3A_426, %add3A_424 : vector<16xf32>
      %sub3A_428 = arith.constant 1.000000e+00 : f32
      %sub3A_429 = vector.broadcast %sub3A_428 : f32 to vector<16xf32>
      %sub3A_430 = arith.subf %sub3A_429, %div3A_427 : vector<16xf32>
      %swap3A_431 = arith.index_cast %add3A_366 : i32 to index
      %swap3A_432 = arith.constant 32 : index
      %swap3A_433 = tpu.vector_load %arg10[%swap3A_431, %swap3A_432] {strides = array<i32>} : memref<128x64xf32, #tpu.memory_space<vmem>>, vector<1x16xf32>,
      %swap3A_434 = vector.shape_cast %swap3A_433 : vector<1x16xf32> to vector<16xf32>
      %swap3A_435 = vector.shape_cast %sub3A_430 : vector<16xf32> to vector<1x16xf32>
      tpu.vector_store %arg10[%swap3A_431, %swap3A_432], %swap3A_435 {strides = array<i32>} : memref<128x64xf32, #tpu.memory_space<vmem>>, vector<1x16xf32>,
      %max3A_436 = arith.maximumf %scan3A_377#3, %scan3A_377#7 : vector<16xf32>
      %mul3A_437 = arith.constant 2.000000e+00 : f32
      %mul3A_438 = vector.broadcast %mul3A_437 : f32 to vector<16xf32>
      %mul3A_439 = arith.mulf %mul3A_438, %max3A_436 : vector<16xf32>
      %exp3A_440 = math.exp %mul3A_439 : vector<16xf32>
      %add3A_441 = arith.constant 1.000000e+00 : f32
      %add3A_442 = vector.broadcast %add3A_441 : f32 to vector<16xf32>
      %add3A_443 = arith.addf %exp3A_440, %add3A_442 : vector<16xf32>
      %div3A_444 = arith.constant 2.000000e+00 : f32
      %div3A_445 = vector.broadcast %div3A_444 : f32 to vector<16xf32>
      %div3A_446 = arith.divf %div3A_445, %add3A_443 : vector<16xf32>
      %sub3A_447 = arith.constant 1.000000e+00 : f32
      %sub3A_448 = vector.broadcast %sub3A_447 : f32 to vector<16xf32>
      %sub3A_449 = arith.subf %sub3A_448, %div3A_446 : vector<16xf32>
      %swap3A_450 = arith.index_cast %add3A_366 : i32 to index
      %swap3A_451 = arith.constant 48 : index
      %swap3A_452 = tpu.vector_load %arg10[%swap3A_450, %swap3A_451] {strides = array<i32>} : memref<128x64xf32, #tpu.memory_space<vmem>>, vector<1x16xf32>,
      %swap3A_453 = vector.shape_cast %swap3A_452 : vector<1x16xf32> to vector<16xf32>
      %swap3A_454 = vector.shape_cast %sub3A_449 : vector<16xf32> to vector<1x16xf32>
      tpu.vector_store %arg10[%swap3A_450, %swap3A_451], %swap3A_454 {strides = array<i32>} : memref<128x64xf32, #tpu.memory_space<vmem>>, vector<1x16xf32>,
      %add3A_455 = arith.constant 4 : i32
      %add3A_456 = arith.addi %add3A_366, %add3A_455 : i32
      %sub3A_457 = arith.constant 1 : i32
      %sub3A_458 = arith.subi %add3A_456, %sub3A_457 : i32
      %lt3A_459 = arith.constant 128 : i32
      %lt3A_460 = arith.cmpi slt, %sub3A_458, %lt3A_459 : i32
      %convert_element_type3A_461 = arith.extui %lt3A_460 : i1 to i32
      %cond3A_462 = arith.constant 0 : i32
      %cond3A_463 = arith.cmpi ne, %convert_element_type3A_461, %cond3A_462 : i32
      scf.if %cond3A_463 {
        %add3A_464 = arith.constant 4 : i32
        %add3A_465 = arith.addi %add3A_366, %add3A_464 : i32
        %sub3A_466 = arith.constant 1 : i32
        %sub3A_467 = arith.subi %add3A_465, %sub3A_466 : i32
        %dma_start3A_468 = arith.constant 0 : i32
        %dma_start3A_469 = arith.constant 0 : i32
        %dma_start3A_470 = tpu.memref_slice %arg8[%dma_start3A_468, %dma_start3A_469] : memref<200x64xf32, #tpu.memory_space<vmem>> -> memref<128x64xf32, #tpu.memory_space<vmem>>
        %dma_start3A_471 = arith.constant 0 : i32
        %dma_start3A_472 = tpu.memref_slice %arg5[%sub3A_467, %dma_start3A_471] : memref<128x200xi32, #tpu.memory_space<vmem>> -> memref<1x128xi32, #tpu.memory_space<vmem>>
        %dma_start3A_473 = tpu.memref_squeeze %dma_start3A_472 : memref<1x128xi32, #tpu.memory_space<vmem>> -> memref<128xi32, #tpu.memory_space<vmem>>
        %dma_start3A_474 = arith.constant 0 : i32
        %dma_start3A_475 = arith.constant 0 : i32
        %dma_start3A_476 = tpu.memref_slice %arg3[%dma_start3A_474, %dma_start3A_475] : memref<1000000x64xf32, #tpu.memory_space<hbm>> -> memref<1000000x64xf32, #tpu.memory_space<hbm>>
        tpu.enqueue_indirect_dma source(%dma_start3A_476 : memref<1000000x64xf32, #tpu.memory_space<hbm>>) target(%dma_start3A_470 : memref<128x64xf32, #tpu.memory_space<vmem>>) offsets(%dma_start3A_473 : memref<128xi32, #tpu.memory_space<vmem>>) semaphore(%arg13 : memref<!tpu.dma_semaphore, #tpu.memory_space<semaphore_mem>>)
        %dma_start3A_477 = arith.constant 128 : i32
        %dma_start3A_478 = arith.constant 0 : i32
        %dma_start3A_479 = tpu.memref_slice %arg8[%dma_start3A_477, %dma_start3A_478] : memref<200x64xf32, #tpu.memory_space<vmem>> -> memref<72x64xf32, #tpu.memory_space<vmem>>
        %dma_start3A_480 = arith.constant 128 : i32
        %dma_start3A_481 = tpu.memref_slice %arg5[%sub3A_467, %dma_start3A_480] : memref<128x200xi32, #tpu.memory_space<vmem>> -> memref<1x72xi32, #tpu.memory_space<vmem>>
        %dma_start3A_482 = tpu.memref_squeeze %dma_start3A_481 : memref<1x72xi32, #tpu.memory_space<vmem>> -> memref<72xi32, #tpu.memory_space<vmem>>
        %dma_start3A_483 = arith.constant 0 : i32
        %dma_start3A_484 = arith.constant 0 : i32
        %dma_start3A_485 = tpu.memref_slice %arg3[%dma_start3A_483, %dma_start3A_484] : memref<1000000x64xf32, #tpu.memory_space<hbm>> -> memref<1000000x64xf32, #tpu.memory_space<hbm>>
        tpu.enqueue_indirect_dma source(%dma_start3A_485 : memref<1000000x64xf32, #tpu.memory_space<hbm>>) target(%dma_start3A_479 : memref<72x64xf32, #tpu.memory_space<vmem>>) offsets(%dma_start3A_482 : memref<72xi32, #tpu.memory_space<vmem>>) semaphore(%arg13 : memref<!tpu.dma_semaphore, #tpu.memory_space<semaphore_mem>>)
      } else {
      }
    }
    %scan3A_67 = arith.constant 32 : i32
    "tpu.region"() ({
      %run_scoped3A = tpu.sem_alloc : memref<!tpu.dma_semaphore, #tpu.memory_space<semaphore_mem>>
      %dma_start3A_68 = arith.constant 0 : i32
      %dma_start3A_69 = tpu.memref_slice %arg4[%mul3A_2, %dma_start3A_68] : memref<4096x64xf32, #tpu.memory_space<hbm>> -> memref<128x64xf32, #tpu.memory_space<hbm>>
      %dma_start3A_70 = arith.constant 0 : i32
      %dma_start3A_71 = tpu.memref_slice %arg4[%mul3A_2, %dma_start3A_70] : memref<4096x64xf32, #tpu.memory_space<hbm>> -> memref<128x64xf32, #tpu.memory_space<hbm>>
      tpu.enqueue_dma source(%arg10 : memref<128x64xf32, #tpu.memory_space<vmem>>) target(%dma_start3A_71 : memref<128x64xf32, #tpu.memory_space<hbm>>) target_semaphore(%run_scoped3A : memref<!tpu.dma_semaphore, #tpu.memory_space<semaphore_mem>>)
      %dma_wait3A = arith.constant 0 : i32
      %dma_wait3A_72 = tpu.memref_slice %arg4[%mul3A_2, %dma_wait3A] : memref<4096x64xf32, #tpu.memory_space<hbm>> -> memref<128x64xf32, #tpu.memory_space<hbm>>
      %dma_wait3A_73 = arith.constant 0 : i32
      %dma_wait3A_74 = tpu.memref_slice %arg4[%mul3A_2, %dma_wait3A_73] : memref<4096x64xf32, #tpu.memory_space<hbm>> -> memref<128x64xf32, #tpu.memory_space<hbm>>
      tpu.wait_dma2 semaphore(%run_scoped3A : memref<!tpu.dma_semaphore, #tpu.memory_space<semaphore_mem>>) src(%arg10 : memref<128x64xf32, #tpu.memory_space<vmem>>) dst(%dma_wait3A_74 : memref<128x64xf32, #tpu.memory_space<hbm>>)
      tpu.yield
    }) : () -> ()
    return
  }
}

</mosaic_0001>

<sc_bundles>
// kernel: kernel.3.cloned.1.call-start
scs
__scs_entry_jumppad:
0x0: {  	(pc) =	sbr.rel $0x88, $3  }
0x1: {  	(tag) =	ssettag $0x0;
	lr =	simm.s32 $0x1  }
0x2: {  	[smem:$0x3F9F] =	sst lr;
	_ =	strace $0xD0000000  }
0x3: {  	_ = 	snop  }
0x4: {  	_ = 	snop  }
0x5: {  	_ = 	snop  }
0x6: {  	_ = 	snop  }
0x7: {  	_ = 	snop  }
__scs_overlays_trampoline_lowered:
0x8: {  	[smem:$0x3FAE] =	sst s0  }
0x9: {  	[smem:$0x3FAF] =	sst s1  }
0xa: {  	[smem:$0x3FB0] =	sst s2  }
0xb: {  	[smem:$0x3FB1] =	sst s3  }
0xc: {  	[smem:$0x3FB2] =	sst s4  }
0xd: {  	[smem:$0x3FB3] =	sst s5  }
0xe: {  	[smem:$0x3FB4] =	sst s6  }
0xf: {  	[smem:$0x3FB5] =	sst s7  }
0x10: {  	[smem:$0x3FB6] =	sst s8  }
0x11: {  	[smem:$0x3FB7] =	sst s9;
	s0 =	simm.s32 @!p0 $0x0  }
0x12: {  	s1 =	sld [smem:$0x3F9D];
	s0 =	simm.s32 @p0 $0x1  }
0x13: {  	[smem:$0x3FB8] =	sst s0;
	s0 =	simm.s32 @!p1 $0x0  }
0x14: {  	s2 =	sld [smem:$0x3F9C];
	s0 =	simm.s32 @p1 $0x1  }
0x15: {  	[smem:$0x3FB9] =	sst s0;
	s0 =	simm.s32 @!p2 $0x0  }
0x16: {  	s3 =	sld [smem:$0x3FDB];
	s0 =	simm.s32 @p2 $0x1  }
0x17: {  	s4 =	simm.s32 $0x1BF5;
	[smem:$0x3FBB] =	sst s0  }
0x18: {  	s0 =	sld [smem:$0x3F9E];
	_ =	swait.ge [sflag:s4], $0x0  }
0x19: {  	s7 =	sld [smem:$0x3F9F]  }
0x1a: {  	s8 =	sadd.s32 $0xFFFFE003, lr  }
0x1b: {  	s9 =	sadd.s32 $0xFFFFFEF7, lr;
	s5 =	simm.s32 $0xFFFFFFFF;
	p2 =	slt.u32 s8, $0xFFFFF086  }
0x1c: {  	p1 =	slt.u32 s9, $0xF7A;
	s5 =	simm.s32 @!p2 $0x0  }
0x1d: {  	s5 =	simm.s32 @p1 $0x1;
	p0 =	seq.s32 s7, s2  }
0x1e: {  	s7 =	smul.u32 @!p0 $0xF7A, s2;
	p2 =	seq.s32 @!p0 s5, $0x0  }
0x1f: {  	s9 =	smul.u32 $0xF7A, s1;
	s8 =	simm.s32 @!p0 $0x1BF5;
	p2 =	por !p2, p0  }
0x20: {  	[sflag:s8] =	ssyncset.s32 @!p0 $0xFFFFF086;
	s6 =	sadd.s32 @!p0 s3, s7;
	s7 =	simm.s32 @!p0 $0x108  }
0x21: {  	s3 =	sadd.s32 s3, s9;
	s6 =	sadd.s32 @!p0 $0x88, s6;
	s7 =	simm.s32 @p2 $0x1082  }
0x22: {  	[simem:s7], [sflag:s8] =	dma.local @!p0 [hbm:s6], $0xF7A  }
0x23: {  	s9 =	sor.u32 $0xD0000000, s2;
	s6 =	simm.s32 $0x108;
	_ =	swait.ge @!p0 [sflag:s8], $0x0  }
0x24: {  	s3 =	sadd.s32 $0x88, s3;
	s6 =	simm.s32 @!p1 $0x1082;
	[sflag:s4] =	ssyncset.s32 $0xFFFFF086  }
0x25: {  	[simem:s6], [sflag:s4] =	dma.local [hbm:s3], $0xF7A  }
0x26: {  	[smem:$0x3F9F] =	sst s1;
	(tag) =	ssettag s2;
	_ =	strace s9  }
0x27: {  	s1 =	sld [smem:$0x3FAF]  }
0x28: {  	s2 =	sld [smem:$0x3FB0]  }
0x29: {  	s4 =	sld [smem:$0x3FB2]  }
0x2a: {  	p0 =	seq.s32 s5, $0x0;
	s5 =	sld [smem:$0x3FB3]  }
0x2b: {  	s6 =	sld [smem:$0x3FB4]  }
0x2c: {  	s7 =	sld [smem:$0x3FB5]  }
0x2d: {  	s3 =	simm.s32 $0x108;
	s8 =	sld [smem:$0x3FB6]  }
0x2e: {  	s3 =	simm.s32 @!p0 $0x1082;
	s9 =	sld [smem:$0x3FB7]  }
0x2f: {  	lr =	sadd.s32 s0, s3;
	s0 =	sld [smem:$0x3FAE]  }
0x30: {  	s3 =	sld [smem:$0x3FB1]  }
0x31: {  	[smem:$0x3FBA] =	sst s10  }
0x32: {  	s10 =	sld [smem:$0x3FB8];
	_ =	sdelay $0x3  }
0x33: {  	p0 =	seq.s32 s10, $0x1;
	s10 =	sld [smem:$0x3FBA];
	_ =	sdelay $0x3  }
0x34: {  	[smem:$0x3FBA] =	sst s10  }
0x35: {  	s10 =	sld [smem:$0x3FB9];
	_ =	sdelay $0x3  }
0x36: {  	p1 =	seq.s32 s10, $0x1;
	s10 =	sld [smem:$0x3FBA];
	_ =	sdelay $0x3  }
0x37: {  	[smem:$0x3FBA] =	sst s10  }
0x38: {  	s10 =	sld [smem:$0x3FBB]  }
0x39: {  	_ = 	snop;
	(pc) =	sbr.ind lr, $3  }
0x3a: {  	_ = 	snop  }
0x3b: {  	_ = 	snop  }
0x3c: {  	p2 =	seq.s32 s10, $0x1;
	s10 =	sld [smem:$0x3FBA]  }
0x3d: {  	_ =	shalt  }
0x3e: {  	_ =	shalt  }
0x3f: {  	_ =	shalt  }
0x40: {  	_ =	shalt  }
0x41: {  	_ =	shalt  }
0x42: {  	_ =	shalt  }
0x43: {  	_ =	shalt  }
0x44: {  	_ =	shalt  }
0x45: {  	_ =	shalt  }
0x46: {  	_ =	shalt  }
0x47: {  	_ =	shalt  }
0x48: {  	_ =	shalt  }
0x49: {  	_ =	shalt  }
0x4a: {  	_ =	shalt  }
0x4b: {  	_ =	shalt  }
0x4c: {  	_ =	shalt  }
0x4d: {  	_ =	shalt  }
0x4e: {  	_ =	shalt  }
0x4f: {  	_ =	shalt  }
0x50: {  	_ =	shalt  }
0x51: {  	_ =	shalt  }
0x52: {  	_ =	shalt  }
0x53: {  	_ =	shalt  }
0x54: {  	_ =	shalt  }
0x55: {  	_ =	shalt  }
0x56: {  	_ =	shalt  }
0x57: {  	_ =	shalt  }
0x58: {  	_ =	shalt  }
0x59: {  	_ =	shalt  }
0x5a: {  	_ =	shalt  }
0x5b: {  	_ =	shalt  }
0x5c: {  	_ =	shalt  }
0x5d: {  	_ =	shalt  }
0x5e: {  	_ =	shalt  }
0x5f: {  	_ =	shalt  }
0x60: {  	_ =	shalt  }
0x61: {  	_ =	shalt  }
0x62: {  	_ =	shalt  }
0x63: {  	_ =	shalt  }
0x64: {  	_ =	shalt  }
0x65: {  	_ =	shalt  }
0x66: {  	_ =	shalt  }
0x67: {  	_ =	shalt  }
0x68: {  	_ =	shalt  }
0x69: {  	_ =	shalt  }
0x6a: {  	_ =	shalt  }
0x6b: {  	_ =	shalt  }
0x6c: {  	_ =	shalt  }
0x6d: {  	_ =	shalt  }
0x6e: {  	_ =	shalt  }
0x6f: {  	_ =	shalt  }
0x70: {  	_ =	shalt  }
0x71: {  	_ =	shalt  }
0x72: {  	_ =	shalt  }
0x73: {  	_ =	shalt  }
0x74: {  	_ =	shalt  }
0x75: {  	_ =	shalt  }
0x76: {  	_ =	shalt  }
0x77: {  	_ =	shalt  }
0x78: {  	_ =	shalt  }
0x79: {  	_ =	shalt  }
0x7a: {  	_ =	shalt  }
0x7b: {  	_ =	shalt  }
0x7c: {  	_ =	shalt  }
0x7d: {  	_ =	shalt  }
0x7e: {  	_ =	shalt  }
0x7f: {  	_ =	shalt  }
0x80: {  	_ =	shalt  }
0x81: {  	_ =	shalt  }
0x82: {  	_ =	shalt  }
0x83: {  	_ =	shalt  }
0x84: {  	_ =	shalt  }
0x85: {  	_ =	shalt  }
0x86: {  	_ =	shalt  }
0x87: {  	_ =	shalt  }
.Lfunc_end0:
.L_simem_size_0:
called_computation_lowered:
.L_overlay_start_0:
0x88: {  	s2 =	sld [smem:$0x3FD9]  }
0x89: {  	s3 =	sld [smem:$0x3FFE];
	_ =	sdelay $0x1  }
0x8a: {  	s1 =	srdreg.scid  }
0x8b: {  	s0 =	sand.u32 $0x1, s1  }
0x8c: {  	s17 =	sshll.u32 s0, $0xA;
	s2 =	sadd.s32 s3, s2  }
0x8d: {  	s2 =	sadd.s32 s2, s17  }
0x8e: {  	[smem:$0x3FC6] =	sst s2  }
0x8f: {  	_ = 	snop  }
0x90: {  	s2 =	sld [smem:$0x3FD0];
	(tm) =	ssettm $0x1  }
0x91: {  	s18 =	sld [smem:$0x3FFB];
	_ =	sdelay $0x3  }
0x92: {  	_ =	strace s18  }
0x93: {  	s3 =	sld [smem:$0x3FFC];
	_ =	sdelay $0x3  }
0x94: {  	_ =	strace s3  }
0x95: {  	s3 =	sld [smem:$0x3FFD];
	_ =	sdelay $0x3  }
0x96: {  	_ =	strace s3  }
0x97: {  	_ =	strace $0x8FFFFFFF  }
0x98: {  	s19 =	sld [smem:$0x3FDB];
	_ =	sdelay $0x1  }
0x99: {  	s4 =	simm.s32 $_scs_section_size  }
0x9a: {  	s5 =	simm.s32 $_size__tile_overlayer_lowered;
	s6 =	simm.s32 $_tile_overlayer_lowered  }
0x9b: {  	s22 =	simm.s32 $0x1BFF;
	s21 =	sshll.u32 s6, $0x1;
	s3 =	sadd.s32 s4, s19  }
0x9c: {  	s7 =	simm.s32 $0x0;
	s20 =	sshll.u32 s5, $0x1;
	s5 =	sadd.s32 s21, s3  }
0x9d: {  	[timem:s7], [sflag:s22] =	dma.local [hbm:s5], s20  }
0x9e: {  	_ =	swait.ge [sflag:s22], s20  }
0x9f: {  	s4 =	ssub.s32 $0x0, s20;
	[sflag:s22] =	ssyncset.done $0x0  }
0xa0: {  	[sflag:s22] =	ssyncadd.s32 s4;
	_ =	sdelay $0x1  }
0xa1: {  	s23 =	simm.s32 $0x1B8B  }
0xa2: {  	_ =	swait.ge [sflag:s23], $0x1  }
0xa3: {  	[sflag:s23] =	ssyncset.done $0x0  }
0xa4: {  	s25 =	simm.s32 $0x1B8E;
	s24 =	sld [smem:$0x3FFE];
	[sflag:s23] =	ssyncadd.s32 $0xFFFFFFFF  }
0xa5: {  	s26 =	simm.s32 $execute0_lowered;
	[smem:$0x3FD2] =	sst s25  }
0xa6: {  	s5 =	sshll.u32 s26, $0x1;
	_ =	strace $0x80000046;
	[dreg:$0x1] =	wrdreg $0xFFFFFFFF  }
0xa7: {  	s28 =	simm.s32 $_size_execute0_lowered;
	s3 =	sadd.s32 s3, s5;
	[dreg:$0x0] =	wrdreg $0x0  }
0xa8: {  	s5 =	sshll.u32 s28, $0x1;
	[dreg:$0x2] =	wrdreg s3  }
0xa9: {  	[dreg:$0x3] =	wrdreg s5  }
0xaa: {  	[dreg:$0x4] =	wrdreg $0xC0  }
0xab: {  	_ =	task [dreg:s7], $0x5FFFF  }
0xac: {  	[dreg:$0x1] =	wrdreg $0xFFFFFFFF  }
0xad: {  	[dreg:$0x0] =	wrdreg $0x60  }
0xae: {  	[dreg:$0x2] =	wrdreg s24  }
0xaf: {  	[dreg:$0x3] =	wrdreg s2  }
0xb0: {  	[dreg:$0x4] =	wrdreg $0x9  }
0xb1: {  	_ =	task.clear_ibuf [dreg:s7], $0x5FFFF;
	_ =	strace $0x90000046  }
0xb2: {  	s29 =	simm.s32 $0x9;
	_ =	strace $0x80000048  }
0xb3: {  	_ =	swait.ge [sflag:s29], $0x1  }
0xb4: {  	[sflag:s29] =	ssyncadd.s32 $0xFFFFFFFF  }
0xb5: {  	_ =	strace $0x90000048  }
0xb6: {  	_ =	sfence  }
0xb7: {  	s30 =	sld [smem:$0x0];
	_ =	sdelay $0x2  }
0xb8: {  	s31 =	sshll.u32 s1, $0xD;
	s1 =	sshrl.u32 s1, $0x2  }
0xb9: {  	s3 =	sand.u32 $0x4000, s31;
	s1 =	sadd.s32 s1, s30  }
0xba: {  	s0 =	sor.u32 s3, s0;
	s1 =	sshll.u32 s1, $0x11  }
0xbb: {  	s0 =	sor.u32 s1, s0  }
0xbc: {  	s0 =	sadd.s32 $0x8F2B, s0  }
0xbd: {  	[sflag:s0] =	ssyncadd.remote.s32 $0x1  }
0xbe: {  	_ =	sfence.sel $0xFFFF  }
0xbf: {  	[dreg:$0x0] =	wrdreg $0xFFFFFFFF;
	(pc) =	sbr.abs _section_cstart, $3  }
0xc0: {  	[dreg:$0x1] =	wrdreg $0xFFFFFFFF  }
0xc1: {  	_ =	task.clear_ibuf [dreg:s7], $0x2FFFF;
	_ =	strace $0x9FFFFFFF  }
0xc2: {  	(tm) =	ssettm $0x7FFFFFFF  }
0xc3: {  	_ =	shalt  }
tec
execute0_lowered:
.L_overlay_start_1:
0x0: {  	(tag) =	ssettag $0x1  }
0x1: {  	s0 =	srdreg.scid;
	s1 =	rddreg [dreg:$0x0]  }
0x2: {  	s2 =	stileid.u32;
	s5 =	rddreg [dreg:$0x1];
	s8 =	simm.s32 $0x80  }
0x3: {  	s10 =	simm.s32 $0x48;
	s12 =	simm.s32 $0xC8;
	s13 =	simm.s32 $0x9600  }
0x4: {  	s14 =	simm.s32 $0x148;
	s15 =	simm.s32 $0xB600;
	s16 =	simm.s32 $0x190  }
0x5: {  	s17 =	simm.s32 $0xC800;
	s18 =	simm.s32 $0x210;
	s19 =	simm.s32 $0xE800  }
0x6: {  	s20 =	simm.s32 $0x1;
	s21 =	simm.s32 $0xFA00;
	s22 =	simm.s32 $0x11A00  }
0x7: {  	s23 =	simm.s32 $0x2;
	s24 =	simm.s32 $0x3;
	s25 =	simm.s32 $0x4  }
0x8: {  	s26 =	simm.s32 $0x12C00;
	s28 =	simm.s32 $0x0;
	s0 =	sand.u32 $0x1, s0  }
0x9: {  	s2 =	sshll.u32 s2, $0x8;
	s3 =	sshll.u32 s0, $0x7;
	s0 =	ssub.s32 $0x2, s0  }
.Ltmp0:
0xa: {  	s4 =	sor.u32 s3, s2;
	s2 =	simm.s32 $0x0;
	(pc) =	sbr.rel .LBB2_1-.Ltmp0, $4  }
0xb: {  	s7 =	sshrl.u32 s0, $0x1;
	s3 =	smul.u32 $0x19, s4;
	[smem:$0x7FF] =	sst s2  }
0xc: {  	s0 =	ssub.s32 s0, s7;
	s31 =	sshll.u32 s4, $0x3;
	s7 =	simm.s32 $0x5  }
0xd: {  	_ =	strace $0x80000047;
	s5 =	sadd.s32 s5, s31;
	s6 =	sadd.s32 s3, s1  }
0xe: {  	s3 =	sadd.s32 $0xF42A00, s1;
	s4 =	sadd.s32 $0x600, s6;
	s6 =	smax.u32 s0, $0x1  }
.LBB2_12:
0xf: {  	s28 =	sadd.s32 $0x1, s28  }
0x10: {  	p0 =	sne.s32 s28, s6  }
.Ltmp1:
0x11: {  	_ = 	snop;
	(pc) =	sbr.rel @!p0 .LBB2_13-.Ltmp1, $4  }
0x12: {  	[hbm4b:s5+s2] =	stream.linear.scatter [tilespmem:s26], [sflag:$0x5], $0x2000, $0x38;
	[tilespmem:$0x14C00] =	vst v63  }
0x13: {  	_ =	swait.ge [sflag:s7], $0x2000  }
0x14: {  	[sflag:s7] =	ssyncset.done $0x0  }
0x15: {  	[sflag:s7] =	ssyncadd.s32 $0xFFFFE000  }
.LBB2_1:
0x16: {  	[tilespmem:s2], [sflag:$0x5] =	stream.linear.gather [hbm4b:s4+s2], $0x6400, $0x38;
	[tilespmem:$0x14C00] =	vst v63  }
0x17: {  	_ =	swait.ge [sflag:s7], $0x6400  }
0x18: {  	[sflag:s7] =	ssyncset.done $0x0  }
0x19: {  	s0 =	simm.s32 $0x6400;
	[sflag:s7] =	ssyncadd.s32 $0xFFFF9C00  }
0x1a: {  	[tilespmem:s0], [sflag:$0x1] =	stream.indirect.gather [hbm4b:s3+s8], $0x40, s2, s8, $0xb8;
	[tilespmem:$0x14C00] =	vst v63  }
0x1b: {  	s31 =	simm.s32 $0x8400  }
0x1c: {  	[tilespmem:s31], [sflag:$0x1] =	stream.indirect.gather [hbm4b:s3+s10], $0x40, s8, s10, $0xb8;
	[tilespmem:$0x14C00] =	vst v63  }
0x1d: {  	_ = 	snop  }
0x1e: {  	[tilespmem:s13], [sflag:$0x2] =	stream.indirect.gather [hbm4b:s3+s8], $0x40, s12, s8, $0xb8;
	[tilespmem:$0x14C00] =	vst v63  }
0x1f: {  	_ = 	snop  }
0x20: {  	[tilespmem:s15], [sflag:$0x2] =	stream.indirect.gather [hbm4b:s3+s10], $0x40, s14, s10, $0xb8;
	[tilespmem:$0x14C00] =	vst v63  }
0x21: {  	_ = 	snop  }
0x22: {  	[tilespmem:s17], [sflag:$0x3] =	stream.indirect.gather [hbm4b:s3+s8], $0x40, s16, s8, $0xb8;
	[tilespmem:$0x14C00] =	vst v63  }
0x23: {  	s29 =	simm.s32 $0x0  }
0x24: {  	[tilespmem:s19], [sflag:$0x3] =	stream.indirect.gather [hbm4b:s3+s10], $0x40, s18, s10, $0xb8;
	[tilespmem:$0x14C00] =	vst v63  }
.LBB2_2:
0x25: {  	_ =	swait.ge [sflag:s20], $0x3200  }
0x26: {  	[sflag:s20] =	ssyncset.done $0x0  }
0x27: {  	s0 =	simm.s32 $0x6500;
	[sflag:s20] =	ssyncadd.s32 $0xFFFFCE00  }
0x28: {  	v8 =	vld [tilespmem:s0+$0x80]  }
0x29: {  	v9 =	vld [tilespmem:s0+$0x90]  }
0x2a: {  	v2 =	vld [tilespmem:s0+$0xA0]  }
0x2b: {  	v0 =	vld [tilespmem:s0+$0xB0]  }
0x2c: {  	v5 =	vld [tilespmem:s0+$0xC0]  }
0x2d: {  	v3 =	vld [tilespmem:s0+$0xD0]  }
0x2e: {  	v1 =	vld [tilespmem:s0+$0xE0]  }
0x2f: {  	v10 =	vld [tilespmem:s0+$0x0]  }
0x30: {  	v11 =	vld [tilespmem:s0+$0x10]  }
0x31: {  	v19 =	vld [tilespmem:s0+$0x20]  }
0x32: {  	v20 =	vld [tilespmem:s0+$0x30]  }
0x33: {  	v22 =	vld [tilespmem:s0+$0x40]  }
0x34: {  	v6 =	vld [tilespmem:s0+$0x50]  }
0x35: {  	v4 =	vld [tilespmem:s0+$0x60]  }
0x36: {  	v14 =	vld [tilespmem:s0+$0xFFFFFF80]  }
0x37: {  	v15 =	vld [tilespmem:s0+$0xFFFFFF90]  }
0x38: {  	v17 =	vld [tilespmem:s0+$0xFFFFFFA0]  }
0x39: {  	v21 =	vld [tilespmem:s0+$0xFFFFFFB0]  }
0x3a: {  	v23 =	vld [tilespmem:s0+$0xFFFFFFC0]  }
0x3b: {  	v13 =	vld [tilespmem:s0+$0xFFFFFF00]  }
0x3c: {  	v16 =	vld [tilespmem:s0+$0xFFFFFF10]  }
0x3d: {  	v26 =	vld [tilespmem:s0+$0xFFFFFF40]  }
0x3e: {  	v12 =	vld [tilespmem:s0+$0xFFFFFFD0]  }
0x3f: {  	v24 =	vld [tilespmem:s0+$0xFFFFFF20]  }
0x40: {  	v7 =	vimm.f32 $-Inf;
	v25 =	vld [tilespmem:s0+$0xFFFFFF30]  }
0x41: {  	v18 =	vmax.f32 v7, v13;
	v13 =	vld [tilespmem:s0+$0xFFFFFFE0]  }
0x42: {  	v16 =	vmax.f32 v7, v16;
	v63 =	vmax.f32 v7, v26;
	v14 =	vmax.f32 v18, v14;
	v18 =	vld [tilespmem:s0+$0xFFFFFF50]  }
0x43: {  	v16 =	vmax.f32 v16, v15;
	v15 =	vld [tilespmem:s0+$0xFFFFFF60];
	v23 =	vmax.f32 v63, v23;
	v10 =	vmax.f32 v14, v10  }
0x44: {  	v11 =	vmax.f32 v16, v11;
	v14 =	vld [tilespmem:s0+$0xFFFFFF70];
	v10 =	vmax.f32 v10, v8;
	v8 =	vmax.f32 v7, v24  }
0x45: {  	v16 =	vld [tilespmem:s0+$0xFFFFFFF0];
	v9 =	vmax.f32 v11, v9;
	v11 =	vmax.f32 v7, v25;
	v8 =	vmax.f32 v8, v17  }
0x46: {  	v22 =	vmax.f32 v23, v22;
	v11 =	vmax.f32 v11, v21;
	v17 =	vld [tilespmem:s0+$0x70];
	v21 =	vmax.f32 v8, v19  }
0x47: {  	s1 =	simm.s32 $0x0;
	v20 =	vmax.f32 v11, v20;
	v19 =	vld [tilespmem:s0+$0xF0];
	s0 =	simm.s32 $0x6700;
	v11 =	vimm.f32 $-Inf;
	v8 =	vimm.f32 $-Inf  }
.LBB2_3:
0x48: {  	v23 =	vld [tilespmem:s0+$0x80];
	v21 =	vmax.f32 v21, v2;
	v20 =	vmax.f32 v20, v0;
	v22 =	vmax.f32 v22, v5  }
0x49: {  	v0 =	vmax.f32 v7, v18;
	v5 =	vmax.f32 v11, v15;
	v24 =	vld [tilespmem:s0+$0x90];
	v7 =	vmax.f32 v8, v14  }
0x4a: {  	v8 =	vmax.f32 v0, v12;
	v5 =	vmax.f32 v5, v13;
	v2 =	vld [tilespmem:s0+$0xA0];
	v7 =	vmax.f32 v7, v16  }
0x4b: {  	v6 =	vmax.f32 v8, v6;
	v4 =	vmax.f32 v5, v4;
	v0 =	vld [tilespmem:s0+$0xB0];
	v8 =	vmax.f32 v7, v17  }
0x4c: {  	v7 =	vmax.f32 v6, v3;
	v11 =	vmax.f32 v4, v1;
	v5 =	vld [tilespmem:s0+$0xC0];
	v8 =	vmax.f32 v8, v19  }
0x4d: {  	v3 =	vld [tilespmem:s0+$0xD0]  }
0x4e: {  	v1 =	vld [tilespmem:s0+$0xE0]  }
0x4f: {  	v14 =	vld [tilespmem:s0+$0x0]  }
0x50: {  	v16 =	vld [tilespmem:s0+$0x10]  }
0x51: {  	v19 =	vld [tilespmem:s0+$0x20]  }
0x52: {  	v25 =	vld [tilespmem:s0+$0x30]  }
0x53: {  	v26 =	vld [tilespmem:s0+$0x40]  }
0x54: {  	v6 =	vld [tilespmem:s0+$0x50]  }
0x55: {  	v4 =	vld [tilespmem:s0+$0x60]  }
0x56: {  	v15 =	vld [tilespmem:s0+$0xFFFFFF80]  }
0x57: {  	v17 =	vld [tilespmem:s0+$0xFFFFFF90]  }
0x58: {  	v27 =	vld [tilespmem:s0+$0xFFFFFFA0]  }
0x59: {  	v28 =	vld [tilespmem:s0+$0xFFFFFFB0]  }
0x5a: {  	v29 =	vld [tilespmem:s0+$0xFFFFFFC0]  }
0x5b: {  	v13 =	vld [tilespmem:s0+$0xFFFFFF00]  }
0x5c: {  	v18 =	vld [tilespmem:s0+$0xFFFFFF10]  }
0x5d: {  	v12 =	vld [tilespmem:s0+$0xFFFFFFD0]  }
0x5e: {  	v30 =	vld [tilespmem:s0+$0xFFFFFF20]  }
0x5f: {  	v31 =	vld [tilespmem:s0+$0xFFFFFF30]  }
0x60: {  	v32 =	vld [tilespmem:s0+$0xFFFFFF40]  }
0x61: {  	s1 =	sadd.s32 $0x4, s1;
	v10 =	vmax.f32 v10, v13;
	v9 =	vmax.f32 v9, v18;
	v13 =	vld [tilespmem:s0+$0xFFFFFFE0]  }
0x62: {  	p0 =	slt.u32 s1, $0x60;
	v10 =	vmax.f32 v10, v15;
	v18 =	vld [tilespmem:s0+$0xFFFFFF50];
	v9 =	vmax.f32 v9, v17  }
.Ltmp2:
0x63: {  	v10 =	vmax.f32 v10, v14;
	v15 =	vld [tilespmem:s0+$0xFFFFFF60];
	v9 =	vmax.f32 v9, v16;
	(pc) =	sbr.rel @p0 .LBB2_3-.Ltmp2, $4  }
0x64: {  	v10 =	vmax.f32 v10, v23;
	v14 =	vld [tilespmem:s0+$0xFFFFFF70];
	v9 =	vmax.f32 v9, v24  }
0x65: {  	v17 =	vmax.f32 v21, v30;
	v20 =	vmax.f32 v20, v31;
	v21 =	vmax.f32 v22, v32;
	v16 =	vld [tilespmem:s0+$0xFFFFFFF0]  }
0x66: {  	v22 =	vmax.f32 v17, v27;
	v20 =	vmax.f32 v20, v28;
	v23 =	vmax.f32 v21, v29;
	v17 =	vld [tilespmem:s0+$0x70]  }
0x67: {  	v21 =	vmax.f32 v22, v19;
	v20 =	vmax.f32 v20, v25;
	v22 =	vmax.f32 v23, v26;
	v19 =	vld [tilespmem:s0+$0xF0];
	s0 =	sadd.s32 $0x200, s0  }
0x68: {  	v5 =	vmax.f32 v22, v5  }
0x69: {  	v5 =	vmax.f32 v10, v5  }
0x6a: {  	v5 =	vadd.f32 v5, v5;
	_ =	sdelay $0x1  }
0x6b: {  	v5 =	vmul.f32 $1.442695020e+00, v5;
	_ =	sdelay $0x1  }
0x6c: {  	(erf) = vpow2.f32 v5;
	_ =	sdelay $0x3  }
0x6d: {  	v5 =	vmax.f32 v7, v18  }
0x6e: {  	v5 =	vmax.f32 v5, v12  }
0x6f: {  	v5 =	vmax.f32 v5, v6  }
0x70: {  	v3 =	vmax.f32 v5, v3  }
0x71: {  	v3 =	vmax.f32 v9, v3  }
0x72: {  	v3 =	vadd.f32 v3, v3;
	v5 =	vpop (erf)  }
0x73: {  	v5 =	vadd.f32 $1.000000000e+00, v5  }
0x74: {  	v3 =	vmul.f32 $1.442695020e+00, v3  }
0x75: {  	(erf) = vrcp.f32 v5  }
0x76: {  	(erf) = vpow2.f32 v3;
	_ =	sdelay $0x2  }
0x77: {  	v3 =	vmax.f32 v11, v15  }
0x78: {  	v3 =	vmax.f32 v3, v13  }
0x79: {  	v3 =	vmax.f32 v3, v4  }
0x7a: {  	v2 =	vmax.f32 v21, v2  }
0x7b: {  	v1 =	vmax.f32 v3, v1  }
0x7c: {  	v1 =	vmax.f32 v2, v1;
	v3 =	vpop (erf)  }
0x7d: {  	v1 =	vadd.f32 v1, v1;
	v2 =	vpop (erf)  }
0x7e: {  	v2 =	vadd.f32 $1.000000000e+00, v2  }
0x7f: {  	v1 =	vmul.f32 $1.442695020e+00, v1  }
0x80: {  	(erf) = vrcp.f32 v2  }
0x81: {  	(erf) = vpow2.f32 v1;
	_ =	sdelay $0x2  }
0x82: {  	v1 =	vmax.f32 v8, v14  }
0x83: {  	v1 =	vmax.f32 v1, v16  }
0x84: {  	v1 =	vmax.f32 v1, v17  }
0x85: {  	v1 =	vmax.f32 v1, v19  }
0x86: {  	v0 =	vmax.f32 v20, v0  }
0x87: {  	v0 =	vmax.f32 v0, v1;
	v2 =	vpop (erf)  }
0x88: {  	v0 =	vadd.f32 v0, v0;
	v1 =	vpop (erf)  }
0x89: {  	v1 =	vadd.f32 $1.000000000e+00, v1  }
0x8a: {  	v0 =	vmul.f32 $1.442695020e+00, v0  }
0x8b: {  	(erf) = vrcp.f32 v1  }
0x8c: {  	(erf) = vpow2.f32 v0;
	_ =	sdelay $0x7  }
0x8d: {  	v0 =	vpop (erf)  }
0x8e: {  	v1 =	vpop (erf)  }
0x8f: {  	v1 =	vadd.f32 $1.000000000e+00, v1;
	_ =	sdelay $0x1  }
0x90: {  	(erf) = vrcp.f32 v1;
	_ =	sdelay $0x6  }
0x91: {  	v2 =	vadd.f32 v2, v2  }
0x92: {  	v1 =	vadd.f32 v3, v3  }
0x93: {  	s0 =	sshll.u32 s29, $0x8;
	v2 =	vsub.f32 $1.000000000e+00, v2;
	v0 =	vadd.f32 v0, v0;
	v3 =	vpop (erf)  }
0x94: {  	s31 =	sand.u32 $0x3FFFFF00, s0;
	v1 =	vsub.f32 $1.000000000e+00, v1;
	v3 =	vadd.f32 v3, v3  }
0x95: {  	s30 =	sshllo.u32 s29, $0x2;
	[tilespmem:s31+$0x12C10] =	vst v2;
	v0 =	vsub.f32 $1.000000000e+00, v0  }
0x96: {  	s9 =	smul.u32 $0x320, s30;
	[tilespmem:s31+$0x12C00] =	vst v1;
	v1 =	vsub.f32 $1.000000000e+00, v3  }
0x97: {  	[tilespmem:s31+$0x12C20] =	vst v0  }
0x98: {  	s0 =	sshra.s32 s9, $0x2;
	[tilespmem:s31+$0x12C30] =	vst v1  }
0x99: {  	[tilespmem:s21], [sflag:$0x4] =	stream.indirect.gather [hbm4b:s3+s8], $0x40, s0, s8, $0xb8;
	[tilespmem:$0x14C00] =	vst v63  }
0x9a: {  	s0 =	sadd.s32 $0x80, s0  }
0x9b: {  	[tilespmem:s22], [sflag:$0x4] =	stream.indirect.gather [hbm4b:s3+s10], $0x40, s0, s10, $0xb8;
	[tilespmem:$0x14C00] =	vst v63  }
0x9c: {  	_ =	swait.ge [sflag:s23], $0x3200  }
0x9d: {  	[sflag:s23] =	ssyncset.done $0x0  }
0x9e: {  	s11 =	simm.s32 $0x9700;
	[sflag:s23] =	ssyncadd.s32 $0xFFFFCE00  }
0x9f: {  	v8 =	vld [tilespmem:s11+$0x80]  }
0xa0: {  	v9 =	vld [tilespmem:s11+$0x90]  }
0xa1: {  	v2 =	vld [tilespmem:s11+$0xA0]  }
0xa2: {  	v0 =	vld [tilespmem:s11+$0xB0]  }
0xa3: {  	v5 =	vld [tilespmem:s11+$0xC0]  }
0xa4: {  	v3 =	vld [tilespmem:s11+$0xD0]  }
0xa5: {  	v1 =	vld [tilespmem:s11+$0xE0]  }
0xa6: {  	v10 =	vld [tilespmem:s11+$0x0]  }
0xa7: {  	v11 =	vld [tilespmem:s11+$0x10]  }
0xa8: {  	v19 =	vld [tilespmem:s11+$0x20]  }
0xa9: {  	v20 =	vld [tilespmem:s11+$0x30]  }
0xaa: {  	v22 =	vld [tilespmem:s11+$0x40]  }
0xab: {  	v6 =	vld [tilespmem:s11+$0x50]  }
0xac: {  	v4 =	vld [tilespmem:s11+$0x60]  }
0xad: {  	v14 =	vld [tilespmem:s11+$0xFFFFFF80]  }
0xae: {  	v15 =	vld [tilespmem:s11+$0xFFFFFF90]  }
0xaf: {  	v17 =	vld [tilespmem:s11+$0xFFFFFFA0]  }
0xb0: {  	v21 =	vld [tilespmem:s11+$0xFFFFFFB0]  }
0xb1: {  	v23 =	vld [tilespmem:s11+$0xFFFFFFC0]  }
0xb2: {  	v13 =	vld [tilespmem:s11+$0xFFFFFF00]  }
0xb3: {  	v16 =	vld [tilespmem:s11+$0xFFFFFF10]  }
0xb4: {  	v26 =	vld [tilespmem:s11+$0xFFFFFF40]  }
0xb5: {  	v12 =	vld [tilespmem:s11+$0xFFFFFFD0]  }
0xb6: {  	v24 =	vld [tilespmem:s11+$0xFFFFFF20]  }
0xb7: {  	v7 =	vimm.f32 $-Inf;
	v25 =	vld [tilespmem:s11+$0xFFFFFF30]  }
0xb8: {  	v18 =	vmax.f32 v7, v13;
	v13 =	vld [tilespmem:s11+$0xFFFFFFE0]  }
0xb9: {  	v16 =	vmax.f32 v7, v16;
	v63 =	vmax.f32 v7, v26;
	v14 =	vmax.f32 v18, v14;
	v18 =	vld [tilespmem:s11+$0xFFFFFF50]  }
0xba: {  	v16 =	vmax.f32 v16, v15;
	v15 =	vld [tilespmem:s11+$0xFFFFFF60];
	v23 =	vmax.f32 v63, v23;
	v10 =	vmax.f32 v14, v10  }
0xbb: {  	v11 =	vmax.f32 v16, v11;
	v14 =	vld [tilespmem:s11+$0xFFFFFF70];
	v10 =	vmax.f32 v10, v8;
	v8 =	vmax.f32 v7, v24  }
0xbc: {  	v16 =	vld [tilespmem:s11+$0xFFFFFFF0];
	v9 =	vmax.f32 v11, v9;
	v11 =	vmax.f32 v7, v25;
	v8 =	vmax.f32 v8, v17  }
0xbd: {  	v22 =	vmax.f32 v23, v22;
	v11 =	vmax.f32 v11, v21;
	v17 =	vld [tilespmem:s11+$0x70];
	v21 =	vmax.f32 v8, v19  }
0xbe: {  	s1 =	simm.s32 $0x0;
	s0 =	simm.s32 $0x9900;
	v20 =	vmax.f32 v11, v20;
	v19 =	vld [tilespmem:s11+$0xF0];
	v11 =	vimm.f32 $-Inf;
	v8 =	vimm.f32 $-Inf  }
.LBB2_5:
0xbf: {  	v23 =	vld [tilespmem:s0+$0x80];
	v21 =	vmax.f32 v21, v2;
	v20 =	vmax.f32 v20, v0;
	v22 =	vmax.f32 v22, v5  }
0xc0: {  	v0 =	vmax.f32 v7, v18;
	v5 =	vmax.f32 v11, v15;
	v24 =	vld [tilespmem:s0+$0x90];
	v7 =	vmax.f32 v8, v14  }
0xc1: {  	v8 =	vmax.f32 v0, v12;
	v5 =	vmax.f32 v5, v13;
	v2 =	vld [tilespmem:s0+$0xA0];
	v7 =	vmax.f32 v7, v16  }
0xc2: {  	v6 =	vmax.f32 v8, v6;
	v4 =	vmax.f32 v5, v4;
	v0 =	vld [tilespmem:s0+$0xB0];
	v8 =	vmax.f32 v7, v17  }
0xc3: {  	v7 =	vmax.f32 v6, v3;
	v11 =	vmax.f32 v4, v1;
	v5 =	vld [tilespmem:s0+$0xC0];
	v8 =	vmax.f32 v8, v19  }
0xc4: {  	v3 =	vld [tilespmem:s0+$0xD0]  }
0xc5: {  	v1 =	vld [tilespmem:s0+$0xE0]  }
0xc6: {  	v14 =	vld [tilespmem:s0+$0x0]  }
0xc7: {  	v16 =	vld [tilespmem:s0+$0x10]  }
0xc8: {  	v19 =	vld [tilespmem:s0+$0x20]  }
0xc9: {  	v25 =	vld [tilespmem:s0+$0x30]  }
0xca: {  	v26 =	vld [tilespmem:s0+$0x40]  }
0xcb: {  	v6 =	vld [tilespmem:s0+$0x50]  }
0xcc: {  	v4 =	vld [tilespmem:s0+$0x60]  }
0xcd: {  	v15 =	vld [tilespmem:s0+$0xFFFFFF80]  }
0xce: {  	v17 =	vld [tilespmem:s0+$0xFFFFFF90]  }
0xcf: {  	v27 =	vld [tilespmem:s0+$0xFFFFFFA0]  }
0xd0: {  	v28 =	vld [tilespmem:s0+$0xFFFFFFB0]  }
0xd1: {  	v29 =	vld [tilespmem:s0+$0xFFFFFFC0]  }
0xd2: {  	v13 =	vld [tilespmem:s0+$0xFFFFFF00]  }
0xd3: {  	v18 =	vld [tilespmem:s0+$0xFFFFFF10]  }
0xd4: {  	v12 =	vld [tilespmem:s0+$0xFFFFFFD0]  }
0xd5: {  	v30 =	vld [tilespmem:s0+$0xFFFFFF20]  }
0xd6: {  	v31 =	vld [tilespmem:s0+$0xFFFFFF30]  }
0xd7: {  	v32 =	vld [tilespmem:s0+$0xFFFFFF40]  }
0xd8: {  	s1 =	sadd.s32 $0x4, s1;
	v10 =	vmax.f32 v10, v13;
	v9 =	vmax.f32 v9, v18;
	v13 =	vld [tilespmem:s0+$0xFFFFFFE0]  }
0xd9: {  	p0 =	slt.u32 s1, $0x60;
	v10 =	vmax.f32 v10, v15;
	v18 =	vld [tilespmem:s0+$0xFFFFFF50];
	v9 =	vmax.f32 v9, v17  }
.Ltmp3:
0xda: {  	v10 =	vmax.f32 v10, v14;
	v15 =	vld [tilespmem:s0+$0xFFFFFF60];
	v9 =	vmax.f32 v9, v16;
	(pc) =	sbr.rel @p0 .LBB2_5-.Ltmp3, $4  }
0xdb: {  	v10 =	vmax.f32 v10, v23;
	v14 =	vld [tilespmem:s0+$0xFFFFFF70];
	v9 =	vmax.f32 v9, v24  }
0xdc: {  	v17 =	vmax.f32 v21, v30;
	v20 =	vmax.f32 v20, v31;
	v21 =	vmax.f32 v22, v32;
	v16 =	vld [tilespmem:s0+$0xFFFFFFF0]  }
0xdd: {  	v22 =	vmax.f32 v17, v27;
	v20 =	vmax.f32 v20, v28;
	v23 =	vmax.f32 v21, v29;
	v17 =	vld [tilespmem:s0+$0x70]  }
0xde: {  	v21 =	vmax.f32 v22, v19;
	v20 =	vmax.f32 v20, v25;
	v22 =	vmax.f32 v23, v26;
	v19 =	vld [tilespmem:s0+$0xF0];
	s0 =	sadd.s32 $0x200, s0  }
0xdf: {  	v5 =	vmax.f32 v22, v5  }
0xe0: {  	v5 =	vmax.f32 v10, v5  }
0xe1: {  	v5 =	vadd.f32 v5, v5;
	_ =	sdelay $0x1  }
0xe2: {  	v5 =	vmul.f32 $1.442695020e+00, v5;
	_ =	sdelay $0x1  }
0xe3: {  	(erf) = vpow2.f32 v5;
	_ =	sdelay $0x3  }
0xe4: {  	v5 =	vmax.f32 v7, v18  }
0xe5: {  	v5 =	vmax.f32 v5, v12  }
0xe6: {  	v5 =	vmax.f32 v5, v6  }
0xe7: {  	v3 =	vmax.f32 v5, v3  }
0xe8: {  	v3 =	vmax.f32 v9, v3  }
0xe9: {  	v3 =	vadd.f32 v3, v3;
	v5 =	vpop (erf)  }
0xea: {  	v5 =	vadd.f32 $1.000000000e+00, v5  }
0xeb: {  	v3 =	vmul.f32 $1.442695020e+00, v3  }
0xec: {  	(erf) = vrcp.f32 v5  }
0xed: {  	(erf) = vpow2.f32 v3;
	_ =	sdelay $0x2  }
0xee: {  	v3 =	vmax.f32 v11, v15  }
0xef: {  	v3 =	vmax.f32 v3, v13  }
0xf0: {  	v3 =	vmax.f32 v3, v4  }
0xf1: {  	v2 =	vmax.f32 v21, v2  }
0xf2: {  	v1 =	vmax.f32 v3, v1  }
0xf3: {  	v1 =	vmax.f32 v2, v1;
	v3 =	vpop (erf)  }
0xf4: {  	v1 =	vadd.f32 v1, v1;
	v2 =	vpop (erf)  }
0xf5: {  	v2 =	vadd.f32 $1.000000000e+00, v2  }
0xf6: {  	v1 =	vmul.f32 $1.442695020e+00, v1  }
0xf7: {  	(erf) = vrcp.f32 v2  }
0xf8: {  	(erf) = vpow2.f32 v1;
	_ =	sdelay $0x2  }
0xf9: {  	v1 =	vmax.f32 v8, v14  }
0xfa: {  	v1 =	vmax.f32 v1, v16  }
0xfb: {  	v1 =	vmax.f32 v1, v17  }
0xfc: {  	v1 =	vmax.f32 v1, v19  }
0xfd: {  	v0 =	vmax.f32 v20, v0  }
0xfe: {  	v0 =	vmax.f32 v0, v1;
	v2 =	vpop (erf)  }
0xff: {  	v0 =	vadd.f32 v0, v0;
	v1 =	vpop (erf)  }
0x100: {  	v1 =	vadd.f32 $1.000000000e+00, v1  }
0x101: {  	v0 =	vmul.f32 $1.442695020e+00, v0  }
0x102: {  	(erf) = vrcp.f32 v1  }
0x103: {  	(erf) = vpow2.f32 v0;
	_ =	sdelay $0x7  }
0x104: {  	v0 =	vpop (erf)  }
0x105: {  	v1 =	vpop (erf)  }
0x106: {  	v1 =	vadd.f32 $1.000000000e+00, v1;
	_ =	sdelay $0x1  }
0x107: {  	(erf) = vrcp.f32 v1;
	_ =	sdelay $0x6  }
0x108: {  	v2 =	vadd.f32 v2, v2  }
0x109: {  	v1 =	vadd.f32 v3, v3  }
0x10a: {  	v2 =	vsub.f32 $1.000000000e+00, v2;
	v0 =	vadd.f32 v0, v0;
	v3 =	vpop (erf)  }
0x10b: {  	p0 =	seq.s32 s29, $0x1F;
	v1 =	vsub.f32 $1.000000000e+00, v1;
	v3 =	vadd.f32 v3, v3  }
0x10c: {  	s0 =	smul.u32 @!p0 $0xC80, s29;
	[tilespmem:s31+$0x12C50] =	vst v2;
	v0 =	vsub.f32 $1.000000000e+00, v0  }
0x10d: {  	[tilespmem:s31+$0x12C40] =	vst v1;
	v1 =	vsub.f32 $1.000000000e+00, v3  }
0x10e: {  	s1 =	sshra.s32 @!p0 s0, $0x2;
	[tilespmem:s31+$0x12C60] =	vst v0  }
0x10f: {  	s9 =	simm.s32 @!p0 $0x80;
	s11 =	simm.s32 @!p0 $0x6400;
	s0 =	sadd.s32 @!p0 $0x320, s1;
	[tilespmem:s31+$0x12C70] =	vst v1  }
0x110: {  	[tilespmem:s11], [sflag:$0x1] =	stream.indirect.gather @!p0 [hbm4b:s3+s9], $0x40, s0, s9, $0xb8;
	[tilespmem:$0x14C00] =	vst v63  }
0x111: {  	s0 =	sadd.s32 @!p0 $0x3A0, s1;
	s9 =	simm.s32 @!p0 $0x48;
	s11 =	simm.s32 @!p0 $0x8400  }
0x112: {  	[tilespmem:s11], [sflag:$0x1] =	stream.indirect.gather @!p0 [hbm4b:s3+s9], $0x40, s0, s9, $0xb8;
	[tilespmem:$0x14C00] =	vst v63  }
0x113: {  	_ =	swait.ge [sflag:s24], $0x3200  }
0x114: {  	[sflag:s24] =	ssyncset.done $0x0  }
0x115: {  	s11 =	simm.s32 $0xC900;
	[sflag:s24] =	ssyncadd.s32 $0xFFFFCE00  }
0x116: {  	v8 =	vld [tilespmem:s11+$0x80]  }
0x117: {  	v9 =	vld [tilespmem:s11+$0x90]  }
0x118: {  	v2 =	vld [tilespmem:s11+$0xA0]  }
0x119: {  	v0 =	vld [tilespmem:s11+$0xB0]  }
0x11a: {  	v5 =	vld [tilespmem:s11+$0xC0]  }
0x11b: {  	v3 =	vld [tilespmem:s11+$0xD0]  }
0x11c: {  	v1 =	vld [tilespmem:s11+$0xE0]  }
0x11d: {  	v10 =	vld [tilespmem:s11+$0x0]  }
0x11e: {  	v11 =	vld [tilespmem:s11+$0x10]  }
0x11f: {  	v19 =	vld [tilespmem:s11+$0x20]  }
0x120: {  	v20 =	vld [tilespmem:s11+$0x30]  }
0x121: {  	v22 =	vld [tilespmem:s11+$0x40]  }
0x122: {  	v6 =	vld [tilespmem:s11+$0x50]  }
0x123: {  	v4 =	vld [tilespmem:s11+$0x60]  }
0x124: {  	v14 =	vld [tilespmem:s11+$0xFFFFFF80]  }
0x125: {  	v15 =	vld [tilespmem:s11+$0xFFFFFF90]  }
0x126: {  	v17 =	vld [tilespmem:s11+$0xFFFFFFA0]  }
0x127: {  	v21 =	vld [tilespmem:s11+$0xFFFFFFB0]  }
0x128: {  	v23 =	vld [tilespmem:s11+$0xFFFFFFC0]  }
0x129: {  	v13 =	vld [tilespmem:s11+$0xFFFFFF00]  }
0x12a: {  	v16 =	vld [tilespmem:s11+$0xFFFFFF10]  }
0x12b: {  	v26 =	vld [tilespmem:s11+$0xFFFFFF40]  }
0x12c: {  	v12 =	vld [tilespmem:s11+$0xFFFFFFD0]  }
0x12d: {  	v24 =	vld [tilespmem:s11+$0xFFFFFF20]  }
0x12e: {  	v7 =	vimm.f32 $-Inf;
	v25 =	vld [tilespmem:s11+$0xFFFFFF30]  }
0x12f: {  	v18 =	vmax.f32 v7, v13;
	v13 =	vld [tilespmem:s11+$0xFFFFFFE0]  }
0x130: {  	v16 =	vmax.f32 v7, v16;
	v63 =	vmax.f32 v7, v26;
	v14 =	vmax.f32 v18, v14;
	v18 =	vld [tilespmem:s11+$0xFFFFFF50]  }
0x131: {  	v16 =	vmax.f32 v16, v15;
	v15 =	vld [tilespmem:s11+$0xFFFFFF60];
	v23 =	vmax.f32 v63, v23;
	v10 =	vmax.f32 v14, v10  }
0x132: {  	v11 =	vmax.f32 v16, v11;
	v14 =	vld [tilespmem:s11+$0xFFFFFF70];
	v10 =	vmax.f32 v10, v8;
	v8 =	vmax.f32 v7, v24  }
0x133: {  	v16 =	vld [tilespmem:s11+$0xFFFFFFF0];
	v9 =	vmax.f32 v11, v9;
	v11 =	vmax.f32 v7, v25;
	v8 =	vmax.f32 v8, v17  }
0x134: {  	v22 =	vmax.f32 v23, v22;
	v11 =	vmax.f32 v11, v21;
	v17 =	vld [tilespmem:s11+$0x70];
	v21 =	vmax.f32 v8, v19  }
0x135: {  	s0 =	simm.s32 $0x0;
	s9 =	simm.s32 $0xCB00;
	v20 =	vmax.f32 v11, v20;
	v19 =	vld [tilespmem:s11+$0xF0];
	v11 =	vimm.f32 $-Inf;
	v8 =	vimm.f32 $-Inf  }
.LBB2_7:
0x136: {  	v23 =	vld [tilespmem:s9+$0x80];
	v21 =	vmax.f32 v21, v2;
	v20 =	vmax.f32 v20, v0;
	v22 =	vmax.f32 v22, v5  }
0x137: {  	v0 =	vmax.f32 v7, v18;
	v5 =	vmax.f32 v11, v15;
	v24 =	vld [tilespmem:s9+$0x90];
	v7 =	vmax.f32 v8, v14  }
0x138: {  	v8 =	vmax.f32 v0, v12;
	v5 =	vmax.f32 v5, v13;
	v2 =	vld [tilespmem:s9+$0xA0];
	v7 =	vmax.f32 v7, v16  }
0x139: {  	v6 =	vmax.f32 v8, v6;
	v4 =	vmax.f32 v5, v4;
	v0 =	vld [tilespmem:s9+$0xB0];
	v8 =	vmax.f32 v7, v17  }
0x13a: {  	v7 =	vmax.f32 v6, v3;
	v11 =	vmax.f32 v4, v1;
	v5 =	vld [tilespmem:s9+$0xC0];
	v8 =	vmax.f32 v8, v19  }
0x13b: {  	v3 =	vld [tilespmem:s9+$0xD0]  }
0x13c: {  	v1 =	vld [tilespmem:s9+$0xE0]  }
0x13d: {  	v14 =	vld [tilespmem:s9+$0x0]  }
0x13e: {  	v16 =	vld [tilespmem:s9+$0x10]  }
0x13f: {  	v19 =	vld [tilespmem:s9+$0x20]  }
0x140: {  	v25 =	vld [tilespmem:s9+$0x30]  }
0x141: {  	v26 =	vld [tilespmem:s9+$0x40]  }
0x142: {  	v6 =	vld [tilespmem:s9+$0x50]  }
0x143: {  	v4 =	vld [tilespmem:s9+$0x60]  }
0x144: {  	v15 =	vld [tilespmem:s9+$0xFFFFFF80]  }
0x145: {  	v17 =	vld [tilespmem:s9+$0xFFFFFF90]  }
0x146: {  	v27 =	vld [tilespmem:s9+$0xFFFFFFA0]  }
0x147: {  	v28 =	vld [tilespmem:s9+$0xFFFFFFB0]  }
0x148: {  	v29 =	vld [tilespmem:s9+$0xFFFFFFC0]  }
0x149: {  	v13 =	vld [tilespmem:s9+$0xFFFFFF00]  }
0x14a: {  	v18 =	vld [tilespmem:s9+$0xFFFFFF10]  }
0x14b: {  	v12 =	vld [tilespmem:s9+$0xFFFFFFD0]  }
0x14c: {  	v30 =	vld [tilespmem:s9+$0xFFFFFF20]  }
0x14d: {  	v31 =	vld [tilespmem:s9+$0xFFFFFF30]  }
0x14e: {  	v32 =	vld [tilespmem:s9+$0xFFFFFF40]  }
0x14f: {  	s0 =	sadd.s32 $0x4, s0;
	v10 =	vmax.f32 v10, v13;
	v9 =	vmax.f32 v9, v18;
	v13 =	vld [tilespmem:s9+$0xFFFFFFE0]  }
0x150: {  	p1 =	slt.u32 s0, $0x60;
	v10 =	vmax.f32 v10, v15;
	v18 =	vld [tilespmem:s9+$0xFFFFFF50];
	v9 =	vmax.f32 v9, v17  }
.Ltmp4:
0x151: {  	v10 =	vmax.f32 v10, v14;
	v15 =	vld [tilespmem:s9+$0xFFFFFF60];
	v9 =	vmax.f32 v9, v16;
	(pc) =	sbr.rel @p1 .LBB2_7-.Ltmp4, $4  }
0x152: {  	v10 =	vmax.f32 v10, v23;
	v14 =	vld [tilespmem:s9+$0xFFFFFF70];
	v9 =	vmax.f32 v9, v24  }
0x153: {  	v17 =	vmax.f32 v21, v30;
	v20 =	vmax.f32 v20, v31;
	v21 =	vmax.f32 v22, v32;
	v16 =	vld [tilespmem:s9+$0xFFFFFFF0]  }
0x154: {  	v22 =	vmax.f32 v17, v27;
	v20 =	vmax.f32 v20, v28;
	v23 =	vmax.f32 v21, v29;
	v17 =	vld [tilespmem:s9+$0x70]  }
0x155: {  	v21 =	vmax.f32 v22, v19;
	v20 =	vmax.f32 v20, v25;
	v22 =	vmax.f32 v23, v26;
	v19 =	vld [tilespmem:s9+$0xF0];
	s9 =	sadd.s32 $0x200, s9  }
0x156: {  	v5 =	vmax.f32 v22, v5  }
0x157: {  	v5 =	vmax.f32 v10, v5  }
0x158: {  	v5 =	vadd.f32 v5, v5;
	_ =	sdelay $0x1  }
0x159: {  	v5 =	vmul.f32 $1.442695020e+00, v5;
	_ =	sdelay $0x1  }
0x15a: {  	(erf) = vpow2.f32 v5;
	_ =	sdelay $0x3  }
0x15b: {  	v5 =	vmax.f32 v7, v18  }
0x15c: {  	v5 =	vmax.f32 v5, v12  }
0x15d: {  	v5 =	vmax.f32 v5, v6  }
0x15e: {  	v3 =	vmax.f32 v5, v3  }
0x15f: {  	v3 =	vmax.f32 v9, v3  }
0x160: {  	v3 =	vadd.f32 v3, v3;
	v5 =	vpop (erf)  }
0x161: {  	v5 =	vadd.f32 $1.000000000e+00, v5  }
0x162: {  	v3 =	vmul.f32 $1.442695020e+00, v3  }
0x163: {  	(erf) = vrcp.f32 v5  }
0x164: {  	(erf) = vpow2.f32 v3;
	_ =	sdelay $0x2  }
0x165: {  	v3 =	vmax.f32 v11, v15  }
0x166: {  	v3 =	vmax.f32 v3, v13  }
0x167: {  	v3 =	vmax.f32 v3, v4  }
0x168: {  	v2 =	vmax.f32 v21, v2  }
0x169: {  	v1 =	vmax.f32 v3, v1  }
0x16a: {  	v1 =	vmax.f32 v2, v1;
	v3 =	vpop (erf)  }
0x16b: {  	v1 =	vadd.f32 v1, v1;
	v2 =	vpop (erf)  }
0x16c: {  	v2 =	vadd.f32 $1.000000000e+00, v2  }
0x16d: {  	v1 =	vmul.f32 $1.442695020e+00, v1  }
0x16e: {  	(erf) = vrcp.f32 v2  }
0x16f: {  	(erf) = vpow2.f32 v1;
	_ =	sdelay $0x2  }
0x170: {  	v1 =	vmax.f32 v8, v14  }
0x171: {  	v1 =	vmax.f32 v1, v16  }
0x172: {  	v1 =	vmax.f32 v1, v17  }
0x173: {  	v1 =	vmax.f32 v1, v19  }
0x174: {  	v0 =	vmax.f32 v20, v0  }
0x175: {  	v0 =	vmax.f32 v0, v1;
	v2 =	vpop (erf)  }
0x176: {  	v0 =	vadd.f32 v0, v0;
	v1 =	vpop (erf)  }
0x177: {  	v1 =	vadd.f32 $1.000000000e+00, v1  }
0x178: {  	v0 =	vmul.f32 $1.442695020e+00, v0  }
0x179: {  	(erf) = vrcp.f32 v1  }
0x17a: {  	(erf) = vpow2.f32 v0;
	_ =	sdelay $0x7  }
0x17b: {  	v0 =	vpop (erf)  }
0x17c: {  	v1 =	vpop (erf)  }
0x17d: {  	v1 =	vadd.f32 $1.000000000e+00, v1;
	_ =	sdelay $0x1  }
0x17e: {  	(erf) = vrcp.f32 v1;
	_ =	sdelay $0x6  }
0x17f: {  	v2 =	vadd.f32 v2, v2  }
0x180: {  	v1 =	vadd.f32 v3, v3  }
0x181: {  	v2 =	vsub.f32 $1.000000000e+00, v2;
	v0 =	vadd.f32 v0, v0;
	v3 =	vpop (erf)  }
0x182: {  	v1 =	vsub.f32 $1.000000000e+00, v1;
	v3 =	vadd.f32 v3, v3  }
0x183: {  	[tilespmem:s31+$0x12C90] =	vst v2;
	v0 =	vsub.f32 $1.000000000e+00, v0  }
0x184: {  	[tilespmem:s31+$0x12C80] =	vst v1;
	v1 =	vsub.f32 $1.000000000e+00, v3  }
0x185: {  	[tilespmem:s31+$0x12CA0] =	vst v0  }
0x186: {  	s0 =	sadd.s32 @!p0 $0x3E8, s1;
	s9 =	simm.s32 @!p0 $0x80;
	s11 =	simm.s32 @!p0 $0x9600;
	[tilespmem:s31+$0x12CB0] =	vst v1  }
0x187: {  	[tilespmem:s11], [sflag:$0x2] =	stream.indirect.gather @!p0 [hbm4b:s3+s9], $0x40, s0, s9, $0xb8;
	[tilespmem:$0x14C00] =	vst v63  }
0x188: {  	s0 =	sadd.s32 @!p0 $0x468, s1;
	s1 =	simm.s32 @!p0 $0x48;
	s9 =	simm.s32 @!p0 $0xB600  }
0x189: {  	[tilespmem:s9], [sflag:$0x2] =	stream.indirect.gather @!p0 [hbm4b:s3+s1], $0x40, s0, s1, $0xb8;
	[tilespmem:$0x14C00] =	vst v63  }
0x18a: {  	_ =	swait.ge [sflag:s25], $0x3200  }
0x18b: {  	[sflag:s25] =	ssyncset.done $0x0  }
0x18c: {  	s31 =	simm.s32 $0xFB00;
	[sflag:s25] =	ssyncadd.s32 $0xFFFFCE00  }
0x18d: {  	v8 =	vld [tilespmem:s31+$0x80]  }
0x18e: {  	v9 =	vld [tilespmem:s31+$0x90]  }
0x18f: {  	v2 =	vld [tilespmem:s31+$0xA0]  }
0x190: {  	v0 =	vld [tilespmem:s31+$0xB0]  }
0x191: {  	v5 =	vld [tilespmem:s31+$0xC0]  }
0x192: {  	v3 =	vld [tilespmem:s31+$0xD0]  }
0x193: {  	v1 =	vld [tilespmem:s31+$0xE0]  }
0x194: {  	v10 =	vld [tilespmem:s31+$0x0]  }
0x195: {  	v11 =	vld [tilespmem:s31+$0x10]  }
0x196: {  	v19 =	vld [tilespmem:s31+$0x20]  }
0x197: {  	v20 =	vld [tilespmem:s31+$0x30]  }
0x198: {  	v22 =	vld [tilespmem:s31+$0x40]  }
0x199: {  	v6 =	vld [tilespmem:s31+$0x50]  }
0x19a: {  	v4 =	vld [tilespmem:s31+$0x60]  }
0x19b: {  	v14 =	vld [tilespmem:s31+$0xFFFFFF80]  }
0x19c: {  	v15 =	vld [tilespmem:s31+$0xFFFFFF90]  }
0x19d: {  	v17 =	vld [tilespmem:s31+$0xFFFFFFA0]  }
0x19e: {  	v21 =	vld [tilespmem:s31+$0xFFFFFFB0]  }
0x19f: {  	v23 =	vld [tilespmem:s31+$0xFFFFFFC0]  }
0x1a0: {  	v13 =	vld [tilespmem:s31+$0xFFFFFF00]  }
0x1a1: {  	v16 =	vld [tilespmem:s31+$0xFFFFFF10]  }
0x1a2: {  	v26 =	vld [tilespmem:s31+$0xFFFFFF40]  }
0x1a3: {  	v12 =	vld [tilespmem:s31+$0xFFFFFFD0]  }
0x1a4: {  	v24 =	vld [tilespmem:s31+$0xFFFFFF20]  }
0x1a5: {  	v7 =	vimm.f32 $-Inf;
	v25 =	vld [tilespmem:s31+$0xFFFFFF30]  }
0x1a6: {  	v18 =	vmax.f32 v7, v13;
	v13 =	vld [tilespmem:s31+$0xFFFFFFE0]  }
0x1a7: {  	v16 =	vmax.f32 v7, v16;
	v63 =	vmax.f32 v7, v26;
	v14 =	vmax.f32 v18, v14;
	v18 =	vld [tilespmem:s31+$0xFFFFFF50]  }
0x1a8: {  	v16 =	vmax.f32 v16, v15;
	v15 =	vld [tilespmem:s31+$0xFFFFFF60];
	v23 =	vmax.f32 v63, v23;
	v10 =	vmax.f32 v14, v10  }
0x1a9: {  	v11 =	vmax.f32 v16, v11;
	v14 =	vld [tilespmem:s31+$0xFFFFFF70];
	v10 =	vmax.f32 v10, v8;
	v8 =	vmax.f32 v7, v24  }
0x1aa: {  	v16 =	vld [tilespmem:s31+$0xFFFFFFF0];
	v9 =	vmax.f32 v11, v9;
	v11 =	vmax.f32 v7, v25;
	v8 =	vmax.f32 v8, v17  }
0x1ab: {  	v22 =	vmax.f32 v23, v22;
	v11 =	vmax.f32 v11, v21;
	v17 =	vld [tilespmem:s31+$0x70];
	v21 =	vmax.f32 v8, v19  }
0x1ac: {  	s0 =	simm.s32 $0x0;
	s1 =	simm.s32 $0xFD00;
	v20 =	vmax.f32 v11, v20;
	v19 =	vld [tilespmem:s31+$0xF0];
	v11 =	vimm.f32 $-Inf;
	v8 =	vimm.f32 $-Inf  }
.LBB2_9:
0x1ad: {  	v23 =	vld [tilespmem:s1+$0x80];
	v21 =	vmax.f32 v21, v2;
	v20 =	vmax.f32 v20, v0;
	v22 =	vmax.f32 v22, v5  }
0x1ae: {  	v0 =	vmax.f32 v7, v18;
	v5 =	vmax.f32 v11, v15;
	v24 =	vld [tilespmem:s1+$0x90];
	v7 =	vmax.f32 v8, v14  }
0x1af: {  	v8 =	vmax.f32 v0, v12;
	v5 =	vmax.f32 v5, v13;
	v2 =	vld [tilespmem:s1+$0xA0];
	v7 =	vmax.f32 v7, v16  }
0x1b0: {  	v6 =	vmax.f32 v8, v6;
	v4 =	vmax.f32 v5, v4;
	v0 =	vld [tilespmem:s1+$0xB0];
	v8 =	vmax.f32 v7, v17  }
0x1b1: {  	v7 =	vmax.f32 v6, v3;
	v11 =	vmax.f32 v4, v1;
	v5 =	vld [tilespmem:s1+$0xC0];
	v8 =	vmax.f32 v8, v19  }
0x1b2: {  	v3 =	vld [tilespmem:s1+$0xD0]  }
0x1b3: {  	v1 =	vld [tilespmem:s1+$0xE0]  }
0x1b4: {  	v14 =	vld [tilespmem:s1+$0x0]  }
0x1b5: {  	v16 =	vld [tilespmem:s1+$0x10]  }
0x1b6: {  	v19 =	vld [tilespmem:s1+$0x20]  }
0x1b7: {  	v25 =	vld [tilespmem:s1+$0x30]  }
0x1b8: {  	v26 =	vld [tilespmem:s1+$0x40]  }
0x1b9: {  	v6 =	vld [tilespmem:s1+$0x50]  }
0x1ba: {  	v4 =	vld [tilespmem:s1+$0x60]  }
0x1bb: {  	v15 =	vld [tilespmem:s1+$0xFFFFFF80]  }
0x1bc: {  	v17 =	vld [tilespmem:s1+$0xFFFFFF90]  }
0x1bd: {  	v27 =	vld [tilespmem:s1+$0xFFFFFFA0]  }
0x1be: {  	v28 =	vld [tilespmem:s1+$0xFFFFFFB0]  }
0x1bf: {  	v29 =	vld [tilespmem:s1+$0xFFFFFFC0]  }
0x1c0: {  	v13 =	vld [tilespmem:s1+$0xFFFFFF00]  }
0x1c1: {  	v18 =	vld [tilespmem:s1+$0xFFFFFF10]  }
0x1c2: {  	v12 =	vld [tilespmem:s1+$0xFFFFFFD0]  }
0x1c3: {  	v30 =	vld [tilespmem:s1+$0xFFFFFF20]  }
0x1c4: {  	v31 =	vld [tilespmem:s1+$0xFFFFFF30]  }
0x1c5: {  	v32 =	vld [tilespmem:s1+$0xFFFFFF40]  }
0x1c6: {  	s0 =	sadd.s32 $0x4, s0;
	v10 =	vmax.f32 v10, v13;
	v9 =	vmax.f32 v9, v18;
	v13 =	vld [tilespmem:s1+$0xFFFFFFE0]  }
0x1c7: {  	p1 =	slt.u32 s0, $0x60;
	v10 =	vmax.f32 v10, v15;
	v18 =	vld [tilespmem:s1+$0xFFFFFF50];
	v9 =	vmax.f32 v9, v17  }
.Ltmp5:
0x1c8: {  	v10 =	vmax.f32 v10, v14;
	v15 =	vld [tilespmem:s1+$0xFFFFFF60];
	v9 =	vmax.f32 v9, v16;
	(pc) =	sbr.rel @p1 .LBB2_9-.Ltmp5, $4  }
0x1c9: {  	v10 =	vmax.f32 v10, v23;
	v14 =	vld [tilespmem:s1+$0xFFFFFF70];
	v9 =	vmax.f32 v9, v24  }
0x1ca: {  	v17 =	vmax.f32 v21, v30;
	v20 =	vmax.f32 v20, v31;
	v21 =	vmax.f32 v22, v32;
	v16 =	vld [tilespmem:s1+$0xFFFFFFF0]  }
0x1cb: {  	v22 =	vmax.f32 v17, v27;
	v20 =	vmax.f32 v20, v28;
	v23 =	vmax.f32 v21, v29;
	v17 =	vld [tilespmem:s1+$0x70]  }
0x1cc: {  	v21 =	vmax.f32 v22, v19;
	v20 =	vmax.f32 v20, v25;
	v22 =	vmax.f32 v23, v26;
	v19 =	vld [tilespmem:s1+$0xF0];
	s1 =	sadd.s32 $0x200, s1  }
0x1cd: {  	v5 =	vmax.f32 v22, v5  }
0x1ce: {  	v5 =	vmax.f32 v10, v5  }
0x1cf: {  	v5 =	vadd.f32 v5, v5;
	_ =	sdelay $0x1  }
0x1d0: {  	v5 =	vmul.f32 $1.442695020e+00, v5;
	_ =	sdelay $0x1  }
0x1d1: {  	(erf) = vpow2.f32 v5;
	_ =	sdelay $0x3  }
0x1d2: {  	v52 =	vmax.f32 v7, v18  }
0x1d3: {  	v5 =	vmax.f32 v52, v12  }
0x1d4: {  	v5 =	vmax.f32 v5, v6  }
0x1d5: {  	v3 =	vmax.f32 v5, v3  }
0x1d6: {  	v3 =	vmax.f32 v9, v3  }
0x1d7: {  	v3 =	vadd.f32 v3, v3;
	v53 =	vpop (erf)  }
0x1d8: {  	v5 =	vadd.f32 $1.000000000e+00, v53  }
0x1d9: {  	v3 =	vmul.f32 $1.442695020e+00, v3  }
0x1da: {  	(erf) = vrcp.f32 v5  }
0x1db: {  	(erf) = vpow2.f32 v3;
	_ =	sdelay $0x3  }
0x1dc: {  	v54 =	vmax.f32 v11, v15  }
0x1dd: {  	v3 =	vmax.f32 v54, v13  }
0x1de: {  	v3 =	vmax.f32 v3, v4  }
0x1df: {  	v2 =	vmax.f32 v21, v2;
	v1 =	vmax.f32 v3, v1  }
0x1e0: {  	v1 =	vmax.f32 v2, v1;
	v55 =	vpop (erf)  }
0x1e1: {  	v1 =	vadd.f32 v1, v1;
	v56 =	vpop (erf)  }
0x1e2: {  	v2 =	vadd.f32 $1.000000000e+00, v56  }
0x1e3: {  	v1 =	vmul.f32 $1.442695020e+00, v1  }
0x1e4: {  	(erf) = vrcp.f32 v2  }
0x1e5: {  	(erf) = vpow2.f32 v1;
	_ =	sdelay $0x3  }
0x1e6: {  	v57 =	vmax.f32 v8, v14  }
0x1e7: {  	v1 =	vmax.f32 v57, v16  }
0x1e8: {  	v1 =	vmax.f32 v1, v17  }
0x1e9: {  	v0 =	vmax.f32 v20, v0;
	v1 =	vmax.f32 v1, v19  }
0x1ea: {  	v0 =	vmax.f32 v0, v1;
	v2 =	vpop (erf)  }
0x1eb: {  	v0 =	vadd.f32 v0, v0;
	v58 =	vpop (erf)  }
0x1ec: {  	v1 =	vadd.f32 $1.000000000e+00, v58  }
0x1ed: {  	v0 =	vmul.f32 $1.442695020e+00, v0  }
0x1ee: {  	(erf) = vrcp.f32 v1  }
0x1ef: {  	(erf) = vpow2.f32 v0;
	_ =	sdelay $0x7  }
0x1f0: {  	v59 =	vpop (erf)  }
0x1f1: {  	v60 =	vpop (erf)  }
0x1f2: {  	v1 =	vadd.f32 $1.000000000e+00, v60;
	_ =	sdelay $0x1  }
0x1f3: {  	(erf) = vrcp.f32 v1;
	_ =	sdelay $0x6  }
0x1f4: {  	v2 =	vadd.f32 v2, v2  }
0x1f5: {  	v0 =	vadd.f32 v59, v59  }
0x1f6: {  	s0 =	sshll.u32 s30, $0x6;
	v61 =	vadd.f32 v55, v55;
	v2 =	vsub.f32 $1.000000000e+00, v2;
	v62 =	vpop (erf)  }
.Ltmp6:
0x1f7: {  	s0 =	sand.u32 $0x3FFFFFC0, s0;
	v0 =	vsub.f32 $1.000000000e+00, v0;
	v3 =	vadd.f32 v62, v62;
	(pc) =	sbr.rel @p0 .LBB2_12-.Ltmp6, $4  }
0x1f8: {  	[tilespmem:s0+$0x12C10] =	vst v2;
	v1 =	vsub.f32 $1.000000000e+00, v61  }
0x1f9: {  	[tilespmem:s0+$0x12C20] =	vst v0;
	v63 =	vsub.f32 $1.000000000e+00, v3  }
0x1fa: {  	[tilespmem:s0+$0x12C00] =	vst v1  }
0x1fb: {  	[tilespmem:s0+$0x12C30] =	vst v63  }
0x1fc: {  	s0 =	smul.u32 $0xC80, s29;
	_ =	sdelay $0x1  }
.Ltmp7:
0x1fd: {  	s0 =	sshra.s32 s0, $0x2;
	(pc) =	sbr.rel .LBB2_2-.Ltmp7, $4  }
0x1fe: {  	s1 =	sadd.s32 $0x4B0, s0  }
0x1ff: {  	[tilespmem:s17], [sflag:$0x3] =	stream.indirect.gather [hbm4b:s3+s8], $0x40, s1, s8, $0xb8;
	[tilespmem:$0x14C00] =	vst v63  }
0x200: {  	s29 =	sadd.s32 $0x1, s29;
	s0 =	sadd.s32 $0x530, s0  }
0x201: {  	[tilespmem:s19], [sflag:$0x3] =	stream.indirect.gather [hbm4b:s3+s10], $0x40, s0, s10, $0xb8;
	[tilespmem:$0x14C00] =	vst v63  }
.LBB2_13:
0x202: {  	_ =	sfence.sel $0x180000  }
0x203: {  	[bflag:$0x0] =	sbarrier.arrive $0xFFFF  }
0x204: {  	_ =	strace $0x90000047  }
0x205: {  	s0 =	stileid.u32;
	[bflag:$0x2] =	sbarrier.arrive $0xFFFF  }
0x206: {  	p0 =	sne.s32 s0, $0x0;
	s0 =	rddreg [dreg:$0x2]  }
0x207: {  	s0 =	sadd.s32 @!p0 $0x100000, s0  }
0x208: {  	[sflag:s0] =	ssyncadd.tile.s32 @!p0 $0x1;
	_ =	shalt  }
.Lfunc_end2:
_tile_overlayer_lowered:
.L_overlay_start_2:
0x209: {  	(tag) =	ssettag $0x2  }
0x20a: {  	s0 =	rddreg [dreg:$0x0];
	s2 =	stileid.u32  }
0x20b: {  	s1 =	rddreg [dreg:$0x1];
	p0 =	sne.s32 s2, $0x0  }
0x20c: {  	s3 =	rddreg [dreg:$0x2];
	[bflag:$0x3] =	sbarrier.arrive $0xFFFF;
	s2 =	simm.s32 @!p0 $0x1C05  }
0x20d: {  	[timem:s3], [sflag:s2] =	dma.local @!p0 [hbm:s0], s1  }
0x20e: {  	s0 =	simm.s32 @!p0 $0x5  }
0x20f: {  	_ =	swait.ge @!p0 [sflag:s0], s1  }
0x210: {  	s1 =	ssub.s32 @!p0 $0x0, s1;
	[sflag:s0] =	ssyncset.done @!p0 $0x0  }
0x211: {  	[sflag:s0] =	ssyncadd.s32 @!p0 s1  }
0x212: {  	[bflag:$0x3] =	sbarrier.arrive $0xFFFF  }
0x213: {  	_ =	shalt  }

</sc_bundles>
